<compile_context>
chip_gen: v7x
topology: tpu7x:2x2x1
jax: 0.10.2.dev20260603
libtpu: 0.0.44.dev20260713+nightly
codegen_flags: <defaults>
</compile_context>

<pallas_src>
import functools

import jax
import jax.numpy as jnp
from jax import lax
from jax.experimental import pallas as pl
from jax.experimental.pallas import tpu as pltpu
from jax.experimental.pallas import tpu_sc as plsc

N = 10000
E = 320000
D = 128
DE = 16
H = 128

NC = 2
NS = 16
NW = NC * NS

KCH = 2
EC = E // KCH

LANE = 128
SUB = 2
BLK = SUB * LANE
NB = EC // BLK
ZR = 1000

TE = 8000
NEB = EC // TE

_sc_mesh = plsc.VectorSubcoreMesh(core_axis_name="c", subcore_axis_name="s")


@functools.partial(
    pl.kernel,
    mesh=_sc_mesh,
    out_type=jax.ShapeDtypeStruct((EC, H), jnp.float32),
    scratch_types=[
        pltpu.VMEM((BLK,), jnp.int32),
        pltpu.VMEM((BLK, H), jnp.float32),
        pltpu.VMEM_SHARED((N, H), jnp.float32),
        pltpu.SemaphoreType.DMA,
    ],
)
def _sc_gather(p_hbm, row_hbm, out_hbm, idx_v, rows_v, p_sh, sem):
    cid = lax.axis_index("c")
    sid = lax.axis_index("s")
    wid = sid * NC + cid

    r0 = sid * ZR

    @pl.when(sid < N // ZR)
    def _():
        pltpu.sync_copy(p_hbm.at[pl.ds(r0, ZR)], p_sh.at[pl.ds(r0, ZR)])

    plsc.subcore_barrier()

    nb = (NB - wid + NW - 1) // NW

    def body(i, _):
        base = (wid + i * NW) * BLK
        pltpu.sync_copy(row_hbm.at[pl.ds(base, BLK)], idx_v)
        cps = [
            pltpu.async_copy(
                p_sh.at[idx_v.at[pl.ds(j * LANE, LANE)]],
                rows_v.at[pl.ds(j * LANE, LANE)],
                sem,
            )
            for j in range(SUB)
        ]
        for cp in cps:
            cp.wait()
        pltpu.sync_copy(rows_v, out_hbm.at[pl.ds(base, BLK)])
        return 0

    lax.fori_loop(0, nb, body, 0)


@functools.partial(
    pl.kernel,
    mesh=_sc_mesh,
    out_type=jax.ShapeDtypeStruct((NC, N, H), jnp.float32),
    scratch_types=[
        pltpu.VMEM((LANE,), jnp.int32),
        pltpu.VMEM((LANE,), jnp.int32),
        pltpu.VMEM((BLK, H), jnp.float32),
        pltpu.VMEM_SHARED((N, H), jnp.float32),
        pltpu.SemaphoreType.DMA,
    ],
)
def _sc_scatter(zeros_hbm, col_hbm, dat_hbm, out_hbm, idx_a, idx_b, dat_v,
                acc_sh, sem):
    cid = lax.axis_index("c")
    sid = lax.axis_index("s")

    r0 = sid * ZR

    @pl.when(sid < N // ZR)
    def _():
        pltpu.sync_copy(zeros_hbm, acc_sh.at[pl.ds(r0, ZR)])

    plsc.subcore_barrier()

    half0 = (NB + 1) // NC
    start = cid * half0
    cnt = jnp.where(cid == 0, half0, NB - half0)
    nb = (cnt - sid + NS - 1) // NS

    def body(i, _):
        base = (start + sid + i * NS) * BLK
        pltpu.sync_copy(col_hbm.at[pl.ds(base, LANE)], idx_a)
        pltpu.sync_copy(col_hbm.at[pl.ds(base + LANE, LANE)], idx_b)
        pltpu.sync_copy(dat_hbm.at[pl.ds(base, BLK)], dat_v)
        cps = [
            pltpu.async_copy(dat_v.at[pl.ds(0, LANE)],
                             acc_sh.at[idx_a], sem, add=True),
            pltpu.async_copy(dat_v.at[pl.ds(LANE, LANE)],
                             acc_sh.at[idx_b], sem, add=True),
        ]
        for cp in cps:
            cp.wait()
        return 0

    lax.fori_loop(0, nb, body, 0)
    plsc.subcore_barrier()

    @pl.when(sid < N // ZR)
    def _():
        pltpu.sync_copy(acc_sh.at[pl.ds(r0, ZR)],
                        out_hbm.at[cid].at[pl.ds(r0, ZR)])


def _prep_body(x_ref, w_ref, b_ref, p_ref):
    p_ref[...] = (
        jnp.dot(x_ref[...], w_ref[...], preferred_element_type=jnp.float32)
        + b_ref[...]
    )


def _stats_body(g_ref, ea_ref, w_ref, s1_ref, s2_ref, acc):
    i = pl.program_id(0)
    h = g_ref[...] + jnp.dot(ea_ref[...], w_ref[...],
                             preferred_element_type=jnp.float32)
    s1 = jnp.sum(h, axis=0, keepdims=True)
    s2 = jnp.sum(h * h, axis=0, keepdims=True)

    @pl.when(i == 0)
    def _():
        acc[0:1, :] = s1
        acc[1:2, :] = s2

    @pl.when(i > 0)
    def _():
        acc[0:1, :] += s1
        acc[1:2, :] += s2

    @pl.when(i == NEB - 1)
    def _():
        s1_ref[...] = acc[0:1, :]
        s2_ref[...] = acc[1:2, :]


def _comb_body(s1_ref, s2_ref, g1_ref, beta1_ref, a_ref, c_ref):
    s1 = jnp.sum(s1_ref[...], axis=0, keepdims=True)
    s2 = jnp.sum(s2_ref[...], axis=0, keepdims=True)
    mu = s1 * (1.0 / E)
    var = s2 * (1.0 / E) - mu * mu
    a = g1_ref[...] * lax.rsqrt(var + 1e-5)
    a_ref[...] = a
    c_ref[...] = beta1_ref[...] - mu * a


def _edge_body(g_ref, ea_ref, w_ref, a_ref, c_ref, w1b_ref, b1b_ref, o_ref):
    h = g_ref[...] + jnp.dot(ea_ref[...], w_ref[...],
                             preferred_element_type=jnp.float32)
    h = jnp.maximum(h * a_ref[...] + c_ref[...], 0.0)
    o_ref[...] = (
        jnp.dot(h, w1b_ref[...], preferred_element_type=jnp.float32)
        + b1b_ref[...]
    )


def _node_body(x_ref, agg0_ref, agg1_ref, w2x_ref, w2a_ref, b2a_ref, g2_ref,
               beta2_ref, w2b_ref, b2b_ref, o_ref):
    agg = (agg0_ref[0] + agg0_ref[1]) + (agg1_ref[0] + agg1_ref[1])
    t = (
        jnp.dot(x_ref[...], w2x_ref[...], preferred_element_type=jnp.float32)
        + jnp.dot(agg, w2a_ref[...], preferred_element_type=jnp.float32)
        + b2a_ref[...]
    )
    mu = jnp.mean(t, axis=0, keepdims=True)
    var = jnp.mean(t * t, axis=0, keepdims=True) - mu * mu
    h = jnp.maximum((t - mu) * lax.rsqrt(var + 1e-5) * g2_ref[...]
                    + beta2_ref[...], 0.0)
    o_ref[...] = (
        jnp.dot(h, w2b_ref[...], preferred_element_type=jnp.float32)
        + b2b_ref[...]
    )


def kernel(x, edge_index, edge_attr, u, batch,
           W1a, b1a, g1, beta1, W1b, b1b,
           W2a, b2a, g2, beta2, W2b, b2b):
    row = edge_index[0]
    col = edge_index[1]

    w1x = W1a[:D]
    w1e = W1a[D:]
    b1a2 = b1a.reshape(1, H)
    g1_2 = g1.reshape(1, H)
    beta1_2 = beta1.reshape(1, H)

    p = pl.pallas_call(
        _prep_body,
        out_shape=jax.ShapeDtypeStruct((N, H), jnp.float32),
    )(x, w1x, b1a2)

    gs = [_sc_gather(p, row[k * EC:(k + 1) * EC]) for k in range(KCH)]

    stats_call = pl.pallas_call(
        _stats_body,
        grid=(NEB,),
        in_specs=[
            pl.BlockSpec((TE, H), lambda i: (i, 0)),
            pl.BlockSpec((TE, DE), lambda i: (i, 0)),
            pl.BlockSpec((DE, H), lambda i: (0, 0)),
        ],
        out_specs=[
            pl.BlockSpec((1, H), lambda i: (0, 0)),
            pl.BlockSpec((1, H), lambda i: (0, 0)),
        ],
        out_shape=[
            jax.ShapeDtypeStruct((1, H), jnp.float32),
            jax.ShapeDtypeStruct((1, H), jnp.float32),
        ],
        scratch_shapes=[pltpu.VMEM((8, H), jnp.float32)],
    )
    parts = [stats_call(gs[k], edge_attr[k * EC:(k + 1) * EC], w1e)
             for k in range(KCH)]
    s1 = jnp.concatenate([pr[0] for pr in parts], axis=0)
    s2 = jnp.concatenate([pr[1] for pr in parts], axis=0)

    a, c = pl.pallas_call(
        _comb_body,
        out_shape=[
            jax.ShapeDtypeStruct((1, H), jnp.float32),
            jax.ShapeDtypeStruct((1, H), jnp.float32),
        ],
    )(s1, s2, g1_2, beta1_2)

    edge_call = pl.pallas_call(
        _edge_body,
        grid=(NEB,),
        in_specs=[
            pl.BlockSpec((TE, H), lambda i: (i, 0)),
            pl.BlockSpec((TE, DE), lambda i: (i, 0)),
            pl.BlockSpec((DE, H), lambda i: (0, 0)),
            pl.BlockSpec((1, H), lambda i: (0, 0)),
            pl.BlockSpec((1, H), lambda i: (0, 0)),
            pl.BlockSpec((H, H), lambda i: (0, 0)),
            pl.BlockSpec((1, H), lambda i: (0, 0)),
        ],
        out_specs=pl.BlockSpec((TE, H), lambda i: (i, 0)),
        out_shape=jax.ShapeDtypeStruct((EC, H), jnp.float32),
    )
    outs = [edge_call(gs[k], edge_attr[k * EC:(k + 1) * EC], w1e, a, c,
                      W1b, b1b.reshape(1, H)) for k in range(KCH)]

    zeros = jnp.zeros((ZR, H), jnp.float32)
    aggs = [_sc_scatter(zeros, col[k * EC:(k + 1) * EC], outs[k])
            for k in range(KCH)]

    return pl.pallas_call(
        _node_body,
        out_shape=jax.ShapeDtypeStruct((N, D), jnp.float32),
    )(x, aggs[0], aggs[1], W2a[:D], W2a[D:], b2a.reshape(1, H),
      g2.reshape(1, H), beta2.reshape(1, H), W2b, b2b.reshape(1, D))

# --- scband reference (transcript-rebuilt; emitter-appended) ---
"""Pipeline reference for scband-node-model-7464653160946 (READ-ONLY COPY).

The authoritative reference and input builder live on the scoring server;
editing this copy changes nothing except your own understanding.
"""

import jax, jax.numpy as jnp
import numpy as np


def _mlp(h, W1, b1, g, beta, W2, b2):
    # PyG MLP with num_layers=2, plain_last=True:
    # Linear -> BatchNorm(train-mode batch stats) -> ReLU -> (dropout=0) -> Linear
    h = h @ W1 + b1
    mu = h.mean(axis=0)
    var = h.var(axis=0)
    h = (h - mu) / jnp.sqrt(var + 1e-5) * g + beta
    h = jax.nn.relu(h)
    return h @ W2 + b2


def setup_inputs(seed: int = 0) -> dict:
    key = jax.random.key(seed)
    ks = jax.random.split(key, 10)
    N, E, D, DE, H = 10000, 320000, 128, 16, 128
    x = jax.random.normal(ks[0], (N, D), dtype=jnp.float32)
    edge_index = jax.random.randint(ks[1], (2, E), 0, N, dtype=jnp.int32)
    edge_attr = jax.random.normal(ks[2], (E, DE), dtype=jnp.float32)
    u = jax.random.normal(ks[3], (1, DE), dtype=jnp.float32)
    batch = jnp.zeros((N,), dtype=jnp.int32)
    s = 0.05
    W1a = jax.random.normal(ks[4], (D + DE, H), dtype=jnp.float32) * s
    b1a = jnp.zeros((H,), dtype=jnp.float32)
    g1 = jnp.ones((H,), dtype=jnp.float32)
    beta1 = jnp.zeros((H,), dtype=jnp.float32)
    W1b = jax.random.normal(ks[5], (H, H), dtype=jnp.float32) * s
    b1b = jnp.zeros((H,), dtype=jnp.float32)
    W2a = jax.random.normal(ks[6], (D + H, H), dtype=jnp.float32) * s
    b2a = jnp.zeros((H,), dtype=jnp.float32)
    g2 = jnp.ones((H,), dtype=jnp.float32)
    beta2 = jnp.zeros((H,), dtype=jnp.float32)
    W2b = jax.random.normal(ks[7], (H, D), dtype=jnp.float32) * s
    b2b = jnp.zeros((D,), dtype=jnp.float32)
    return {"x": x, "edge_index": edge_index, "edge_attr": edge_attr, "u": u, "batch": batch,
            "W1a": W1a, "b1a": b1a, "g1": g1, "beta1": beta1, "W1b": W1b, "b1b": b1b,
            "W2a": W2a, "b2a": b2a, "g2": g2, "beta2": beta2, "W2b": W2b, "b2b": b2b}


def reference(x, edge_index, edge_attr, u, batch,
              W1a, b1a, g1, beta1, W1b, b1b,
              W2a, b2a, g2, beta2, W2b, b2b):
    row = edge_index[0]
    col = edge_index[1]
    out = jnp.concatenate([x[row], edge_attr], axis=1)
    out = _mlp(out, W1a, b1a, g1, beta1, W1b, b1b)
    agg = jnp.zeros((x.shape[0], out.shape[1]), dtype=out.dtype).at[col].add(out)
    out2 = jnp.concatenate([x, agg], axis=1)
    return _mlp(out2, W2a, b2a, g2, beta2, W2b, b2b)

if __name__ == "__main__":
    import jax
    _d = setup_inputs()
    print(jax.jit(kernel)(*tuple(_d.values())))

</pallas_src>

<mosaic_0001>
#map = affine_map<(d0, d1) -> (0, 0)>
#map1 = affine_map<(d0, d1) -> (0)>
module attributes {stable_mosaic.version = 14 : i64} {
  func.func @_sc_gather(%arg0: i32, %arg1: i32, %arg2: memref<10000x128xf32, #tpu.memory_space<hbm>>, %arg3: memref<160000xi32, #tpu.memory_space<hbm>>, %arg4: memref<160000x128xf32, #tpu.memory_space<hbm>>, %arg5: memref<256xi32, #tpu.memory_space<vmem>>, %arg6: memref<256x128xf32, #tpu.memory_space<vmem>>, %arg7: memref<10000x128xf32, #tpu.memory_space<vmem_shared>>, %arg8: memref<!tpu.dma_semaphore, #tpu.memory_space<semaphore_mem>>) attributes {dimension_semantics = [#tpu.dimension_semantics<core_parallel>, #tpu.dimension_semantics<subcore_parallel>], iteration_bounds = array<i64: 2, 16>, scalar_prefetch = 0 : i64, scratch_operands = 4 : i64, tpu.core_type = #tpu.core_type<sc_vector_subcore>, window_params = [{transform_indices = #map}, {transform_indices = #map1}, {transform_indices = #map}]} {
    %mul3A = arith.constant 2 : i32
    %mul3A_0 = arith.muli %arg1, %mul3A : i32
    %add3A = arith.addi %mul3A_0, %arg0 : i32
    %mul3A_1 = arith.constant 1000 : i32
    %mul3A_2 = arith.muli %arg1, %mul3A_1 : i32
    %lt3A = arith.constant 10 : i32
    %lt3A_3 = arith.cmpi slt, %arg1, %lt3A : i32
    %convert_element_type3A = arith.extui %lt3A_3 : i1 to i32
    %cond3A = arith.constant 0 : i32
    %cond3A_4 = arith.cmpi ne, %convert_element_type3A, %cond3A : i32
    scf.if %cond3A_4 {
      "tpu.region"() ({
        %run_scoped3A = tpu.sem_alloc : memref<!tpu.dma_semaphore, #tpu.memory_space<semaphore_mem>>
        %dma_start3A = arith.constant 0 : i32
        %dma_start3A_38 = tpu.memref_slice %arg7[%mul3A_2, %dma_start3A] : memref<10000x128xf32, #tpu.memory_space<vmem_shared>> -> memref<1000x128xf32, #tpu.memory_space<vmem_shared>>
        %dma_start3A_39 = arith.constant 0 : i32
        %dma_start3A_40 = tpu.memref_slice %arg2[%mul3A_2, %dma_start3A_39] : memref<10000x128xf32, #tpu.memory_space<hbm>> -> memref<1000x128xf32, #tpu.memory_space<hbm>>
        tpu.enqueue_dma source(%dma_start3A_40 : memref<1000x128xf32, #tpu.memory_space<hbm>>) target(%dma_start3A_38 : memref<1000x128xf32, #tpu.memory_space<vmem_shared>>) target_semaphore(%run_scoped3A : memref<!tpu.dma_semaphore, #tpu.memory_space<semaphore_mem>>)
        %dma_wait3A = arith.constant 0 : i32
        %dma_wait3A_41 = tpu.memref_slice %arg7[%mul3A_2, %dma_wait3A] : memref<10000x128xf32, #tpu.memory_space<vmem_shared>> -> memref<1000x128xf32, #tpu.memory_space<vmem_shared>>
        %dma_wait3A_42 = arith.constant 0 : i32
        %dma_wait3A_43 = tpu.memref_slice %arg2[%mul3A_2, %dma_wait3A_42] : memref<10000x128xf32, #tpu.memory_space<hbm>> -> memref<1000x128xf32, #tpu.memory_space<hbm>>
        tpu.wait_dma2 semaphore(%run_scoped3A : memref<!tpu.dma_semaphore, #tpu.memory_space<semaphore_mem>>) src(%dma_wait3A_43 : memref<1000x128xf32, #tpu.memory_space<hbm>>) dst(%dma_wait3A_41 : memref<1000x128xf32, #tpu.memory_space<vmem_shared>>)
        tpu.yield
      }) : () -> ()
    } else {
    }
    %barrier3A = arith.constant 0 : index
    tpu.barrier barrier_id(%barrier3A)
    %sub3A = arith.constant 625 : i32
    %sub3A_5 = arith.subi %sub3A, %add3A : i32
    %add3A_6 = arith.constant 32 : i32
    %add3A_7 = arith.addi %sub3A_5, %add3A_6 : i32
    %sub3A_8 = arith.constant 1 : i32
    %sub3A_9 = arith.subi %add3A_7, %sub3A_8 : i32
    %jit3A = arith.constant 32 : i32
    %div3A = arith.divsi %sub3A_9, %jit3A : i32
    %sign3A = arith.constant 0 : i32
    %sign3A_10 = arith.cmpi sgt, %sub3A_9, %sign3A : i32
    %sign3A_11 = arith.extui %sign3A_10 : i1 to i32
    %sign3A_12 = arith.constant 0 : i32
    %sign3A_13 = arith.cmpi slt, %sub3A_9, %sign3A_12 : i32
    %sign3A_14 = arith.extui %sign3A_13 : i1 to i32
    %sign3A_15 = arith.subi %sign3A_11, %sign3A_14 : i32
    %sign3A_16 = arith.constant 0 : i32
    %sign3A_17 = arith.cmpi sgt, %jit3A, %sign3A_16 : i32
    %sign3A_18 = arith.extui %sign3A_17 : i1 to i32
    %sign3A_19 = arith.constant 0 : i32
    %sign3A_20 = arith.cmpi slt, %jit3A, %sign3A_19 : i32
    %sign3A_21 = arith.extui %sign3A_20 : i1 to i32
    %sign3A_22 = arith.subi %sign3A_18, %sign3A_21 : i32
    %ne3A = arith.cmpi ne, %sign3A_15, %sign3A_22 : i32
    %rem3A = arith.remsi %sub3A_9, %jit3A : i32
    %ne3A_23 = arith.constant 0 : i32
    %ne3A_24 = arith.cmpi ne, %rem3A, %ne3A_23 : i32
    %and3A = arith.andi %ne3A, %ne3A_24 : i1
    %sub3A_25 = arith.constant 1 : i32
    %sub3A_26 = arith.subi %div3A, %sub3A_25 : i32
    %select_n3A = arith.select %and3A, %sub3A_26, %div3A : i32
    %while3A = arith.constant 0 : i32
    %while3A_27 = arith.constant 0 : i32
    %while3A_28 = arith.subi %select_n3A, %while3A : i32
    %while3A_29 = arith.addi %while3A, %while3A_28 : i32
    %while3A_30 = arith.constant 1 : i32
    %while3A_31 = arith.divsi %while3A_28, %while3A_30 : i32
    %while3A_32 = arith.muli %while3A_31, %while3A_30 : i32
    %while3A_33 = arith.addi %while3A, %while3A_32 : i32
    %while3A_34 = arith.constant 1 : i32
    %while3A_35 = scf.for %while3A_38 = %while3A to %while3A_33 step %while3A_34 iter_args(%while3A_39 = %while3A_27) -> (i32)  : i32 {
      %mul3A_40 = arith.constant 32 : i32
      %mul3A_41 = arith.muli %while3A_38, %mul3A_40 : i32
      %add3A_42 = arith.addi %add3A, %mul3A_41 : i32
      %mul3A_43 = arith.constant 256 : i32
      %mul3A_44 = arith.muli %add3A_42, %mul3A_43 : i32
      "tpu.region"() ({
        %run_scoped3A = tpu.sem_alloc : memref<!tpu.dma_semaphore, #tpu.memory_space<semaphore_mem>>
        %dma_start3A_76 = tpu.memref_slice %arg3[%mul3A_44] : memref<160000xi32, #tpu.memory_space<hbm>> -> memref<256xi32, #tpu.memory_space<hbm>>
        %dma_start3A_77 = tpu.memref_slice %arg3[%mul3A_44] : memref<160000xi32, #tpu.memory_space<hbm>> -> memref<256xi32, #tpu.memory_space<hbm>>
        tpu.enqueue_dma source(%dma_start3A_77 : memref<256xi32, #tpu.memory_space<hbm>>) target(%arg5 : memref<256xi32, #tpu.memory_space<vmem>>) target_semaphore(%run_scoped3A : memref<!tpu.dma_semaphore, #tpu.memory_space<semaphore_mem>>)
        %dma_wait3A_78 = tpu.memref_slice %arg3[%mul3A_44] : memref<160000xi32, #tpu.memory_space<hbm>> -> memref<256xi32, #tpu.memory_space<hbm>>
        %dma_wait3A_79 = tpu.memref_slice %arg3[%mul3A_44] : memref<160000xi32, #tpu.memory_space<hbm>> -> memref<256xi32, #tpu.memory_space<hbm>>
        tpu.wait_dma2 semaphore(%run_scoped3A : memref<!tpu.dma_semaphore, #tpu.memory_space<semaphore_mem>>) src(%dma_wait3A_79 : memref<256xi32, #tpu.memory_space<hbm>>) dst(%arg5 : memref<256xi32, #tpu.memory_space<vmem>>)
        tpu.yield
      }) : () -> ()
      %dma_start3A = arith.constant 0 : i32
      %dma_start3A_45 = arith.constant 0 : i32
      %dma_start3A_46 = tpu.memref_slice %arg6[%dma_start3A, %dma_start3A_45] : memref<256x128xf32, #tpu.memory_space<vmem>> -> memref<128x128xf32, #tpu.memory_space<vmem>>
      %dma_start3A_47 = arith.constant 0 : i32
      %dma_start3A_48 = tpu.memref_slice %arg5[%dma_start3A_47] : memref<256xi32, #tpu.memory_space<vmem>> -> memref<128xi32, #tpu.memory_space<vmem>>
      %dma_start3A_49 = arith.constant 0 : i32
      %dma_start3A_50 = arith.constant 0 : i32
      %dma_start3A_51 = tpu.memref_slice %arg7[%dma_start3A_49, %dma_start3A_50] : memref<10000x128xf32, #tpu.memory_space<vmem_shared>> -> memref<10000x128xf32, #tpu.memory_space<vmem_shared>>
      tpu.enqueue_indirect_dma source(%dma_start3A_51 : memref<10000x128xf32, #tpu.memory_space<vmem_shared>>) target(%dma_start3A_46 : memref<128x128xf32, #tpu.memory_space<vmem>>) offsets(%dma_start3A_48 : memref<128xi32, #tpu.memory_space<vmem>>) semaphore(%arg8 : memref<!tpu.dma_semaphore, #tpu.memory_space<semaphore_mem>>)
      %dma_start3A_52 = arith.constant 128 : i32
      %dma_start3A_53 = arith.constant 0 : i32
      %dma_start3A_54 = tpu.memref_slice %arg6[%dma_start3A_52, %dma_start3A_53] : memref<256x128xf32, #tpu.memory_space<vmem>> -> memref<128x128xf32, #tpu.memory_space<vmem>>
      %dma_start3A_55 = arith.constant 128 : i32
      %dma_start3A_56 = tpu.memref_slice %arg5[%dma_start3A_55] : memref<256xi32, #tpu.memory_space<vmem>> -> memref<128xi32, #tpu.memory_space<vmem>>
      %dma_start3A_57 = arith.constant 0 : i32
      %dma_start3A_58 = arith.constant 0 : i32
      %dma_start3A_59 = tpu.memref_slice %arg7[%dma_start3A_57, %dma_start3A_58] : memref<10000x128xf32, #tpu.memory_space<vmem_shared>> -> memref<10000x128xf32, #tpu.memory_space<vmem_shared>>
      tpu.enqueue_indirect_dma source(%dma_start3A_59 : memref<10000x128xf32, #tpu.memory_space<vmem_shared>>) target(%dma_start3A_54 : memref<128x128xf32, #tpu.memory_space<vmem>>) offsets(%dma_start3A_56 : memref<128xi32, #tpu.memory_space<vmem>>) semaphore(%arg8 : memref<!tpu.dma_semaphore, #tpu.memory_space<semaphore_mem>>)
      %dma_wait3A = arith.constant 0 : i32
      %dma_wait3A_60 = arith.constant 0 : i32
      %dma_wait3A_61 = tpu.memref_slice %arg6[%dma_wait3A, %dma_wait3A_60] : memref<256x128xf32, #tpu.memory_space<vmem>> -> memref<128x128xf32, #tpu.memory_space<vmem>>
      %dma_wait3A_62 = arith.constant 0 : i32
      %dma_wait3A_63 = tpu.memref_slice %arg5[%dma_wait3A_62] : memref<256xi32, #tpu.memory_space<vmem>> -> memref<128xi32, #tpu.memory_space<vmem>>
      %dma_wait3A_64 = arith.constant 0 : i32
      %dma_wait3A_65 = arith.constant 0 : i32
      %dma_wait3A_66 = tpu.memref_slice %arg7[%dma_wait3A_64, %dma_wait3A_65] : memref<10000x128xf32, #tpu.memory_space<vmem_shared>> -> memref<10000x128xf32, #tpu.memory_space<vmem_shared>>
      tpu.wait_indirect_dma semaphore(%arg8 : memref<!tpu.dma_semaphore, #tpu.memory_space<semaphore_mem>>) src(%dma_wait3A_66 : memref<10000x128xf32, #tpu.memory_space<vmem_shared>>) dst(%dma_wait3A_61 : memref<128x128xf32, #tpu.memory_space<vmem>>)
      %dma_wait3A_67 = arith.constant 128 : i32
      %dma_wait3A_68 = arith.constant 0 : i32
      %dma_wait3A_69 = tpu.memref_slice %arg6[%dma_wait3A_67, %dma_wait3A_68] : memref<256x128xf32, #tpu.memory_space<vmem>> -> memref<128x128xf32, #tpu.memory_space<vmem>>
      %dma_wait3A_70 = arith.constant 128 : i32
      %dma_wait3A_71 = tpu.memref_slice %arg5[%dma_wait3A_70] : memref<256xi32, #tpu.memory_space<vmem>> -> memref<128xi32, #tpu.memory_space<vmem>>
      %dma_wait3A_72 = arith.constant 0 : i32
      %dma_wait3A_73 = arith.constant 0 : i32
      %dma_wait3A_74 = tpu.memref_slice %arg7[%dma_wait3A_72, %dma_wait3A_73] : memref<10000x128xf32, #tpu.memory_space<vmem_shared>> -> memref<10000x128xf32, #tpu.memory_space<vmem_shared>>
      tpu.wait_indirect_dma semaphore(%arg8 : memref<!tpu.dma_semaphore, #tpu.memory_space<semaphore_mem>>) src(%dma_wait3A_74 : memref<10000x128xf32, #tpu.memory_space<vmem_shared>>) dst(%dma_wait3A_69 : memref<128x128xf32, #tpu.memory_space<vmem>>)
      "tpu.region"() ({
        %run_scoped3A = tpu.sem_alloc : memref<!tpu.dma_semaphore, #tpu.memory_space<semaphore_mem>>
        %dma_start3A_76 = arith.constant 0 : i32
        %dma_start3A_77 = tpu.memref_slice %arg4[%mul3A_44, %dma_start3A_76] : memref<160000x128xf32, #tpu.memory_space<hbm>> -> memref<256x128xf32, #tpu.memory_space<hbm>>
        %dma_start3A_78 = arith.constant 0 : i32
        %dma_start3A_79 = tpu.memref_slice %arg4[%mul3A_44, %dma_start3A_78] : memref<160000x128xf32, #tpu.memory_space<hbm>> -> memref<256x128xf32, #tpu.memory_space<hbm>>
        tpu.enqueue_dma source(%arg6 : memref<256x128xf32, #tpu.memory_space<vmem>>) target(%dma_start3A_79 : memref<256x128xf32, #tpu.memory_space<hbm>>) target_semaphore(%run_scoped3A : memref<!tpu.dma_semaphore, #tpu.memory_space<semaphore_mem>>)
        %dma_wait3A_80 = arith.constant 0 : i32
        %dma_wait3A_81 = tpu.memref_slice %arg4[%mul3A_44, %dma_wait3A_80] : memref<160000x128xf32, #tpu.memory_space<hbm>> -> memref<256x128xf32, #tpu.memory_space<hbm>>
        %dma_wait3A_82 = arith.constant 0 : i32
        %dma_wait3A_83 = tpu.memref_slice %arg4[%mul3A_44, %dma_wait3A_82] : memref<160000x128xf32, #tpu.memory_space<hbm>> -> memref<256x128xf32, #tpu.memory_space<hbm>>
        tpu.wait_dma2 semaphore(%run_scoped3A : memref<!tpu.dma_semaphore, #tpu.memory_space<semaphore_mem>>) src(%arg6 : memref<256x128xf32, #tpu.memory_space<vmem>>) dst(%dma_wait3A_83 : memref<256x128xf32, #tpu.memory_space<hbm>>)
        tpu.yield
      }) : () -> ()
      %while3A_75 = arith.constant 0 : i32
      scf.yield %while3A_75 : i32
    }
    %while3A_36 = arith.constant 1 : i32
    %while3A_37 = scf.for %while3A_38 = %while3A_33 to %while3A_29 step %while3A_36 iter_args(%while3A_39 = %while3A_35) -> (i32)  : i32 {
      %mul3A_40 = arith.constant 32 : i32
      %mul3A_41 = arith.muli %while3A_38, %mul3A_40 : i32
      %add3A_42 = arith.addi %add3A, %mul3A_41 : i32
      %mul3A_43 = arith.constant 256 : i32
      %mul3A_44 = arith.muli %add3A_42, %mul3A_43 : i32
      "tpu.region"() ({
        %run_scoped3A = tpu.sem_alloc : memref<!tpu.dma_semaphore, #tpu.memory_space<semaphore_mem>>
        %dma_start3A_76 = tpu.memref_slice %arg3[%mul3A_44] : memref<160000xi32, #tpu.memory_space<hbm>> -> memref<256xi32, #tpu.memory_space<hbm>>
        %dma_start3A_77 = tpu.memref_slice %arg3[%mul3A_44] : memref<160000xi32, #tpu.memory_space<hbm>> -> memref<256xi32, #tpu.memory_space<hbm>>
        tpu.enqueue_dma source(%dma_start3A_77 : memref<256xi32, #tpu.memory_space<hbm>>) target(%arg5 : memref<256xi32, #tpu.memory_space<vmem>>) target_semaphore(%run_scoped3A : memref<!tpu.dma_semaphore, #tpu.memory_space<semaphore_mem>>)
        %dma_wait3A_78 = tpu.memref_slice %arg3[%mul3A_44] : memref<160000xi32, #tpu.memory_space<hbm>> -> memref<256xi32, #tpu.memory_space<hbm>>
        %dma_wait3A_79 = tpu.memref_slice %arg3[%mul3A_44] : memref<160000xi32, #tpu.memory_space<hbm>> -> memref<256xi32, #tpu.memory_space<hbm>>
        tpu.wait_dma2 semaphore(%run_scoped3A : memref<!tpu.dma_semaphore, #tpu.memory_space<semaphore_mem>>) src(%dma_wait3A_79 : memref<256xi32, #tpu.memory_space<hbm>>) dst(%arg5 : memref<256xi32, #tpu.memory_space<vmem>>)
        tpu.yield
      }) : () -> ()
      %dma_start3A = arith.constant 0 : i32
      %dma_start3A_45 = arith.constant 0 : i32
      %dma_start3A_46 = tpu.memref_slice %arg6[%dma_start3A, %dma_start3A_45] : memref<256x128xf32, #tpu.memory_space<vmem>> -> memref<128x128xf32, #tpu.memory_space<vmem>>
      %dma_start3A_47 = arith.constant 0 : i32
      %dma_start3A_48 = tpu.memref_slice %arg5[%dma_start3A_47] : memref<256xi32, #tpu.memory_space<vmem>> -> memref<128xi32, #tpu.memory_space<vmem>>
      %dma_start3A_49 = arith.constant 0 : i32
      %dma_start3A_50 = arith.constant 0 : i32
      %dma_start3A_51 = tpu.memref_slice %arg7[%dma_start3A_49, %dma_start3A_50] : memref<10000x128xf32, #tpu.memory_space<vmem_shared>> -> memref<10000x128xf32, #tpu.memory_space<vmem_shared>>
      tpu.enqueue_indirect_dma source(%dma_start3A_51 : memref<10000x128xf32, #tpu.memory_space<vmem_shared>>) target(%dma_start3A_46 : memref<128x128xf32, #tpu.memory_space<vmem>>) offsets(%dma_start3A_48 : memref<128xi32, #tpu.memory_space<vmem>>) semaphore(%arg8 : memref<!tpu.dma_semaphore, #tpu.memory_space<semaphore_mem>>)
      %dma_start3A_52 = arith.constant 128 : i32
      %dma_start3A_53 = arith.constant 0 : i32
      %dma_start3A_54 = tpu.memref_slice %arg6[%dma_start3A_52, %dma_start3A_53] : memref<256x128xf32, #tpu.memory_space<vmem>> -> memref<128x128xf32, #tpu.memory_space<vmem>>
      %dma_start3A_55 = arith.constant 128 : i32
      %dma_start3A_56 = tpu.memref_slice %arg5[%dma_start3A_55] : memref<256xi32, #tpu.memory_space<vmem>> -> memref<128xi32, #tpu.memory_space<vmem>>
      %dma_start3A_57 = arith.constant 0 : i32
      %dma_start3A_58 = arith.constant 0 : i32
      %dma_start3A_59 = tpu.memref_slice %arg7[%dma_start3A_57, %dma_start3A_58] : memref<10000x128xf32, #tpu.memory_space<vmem_shared>> -> memref<10000x128xf32, #tpu.memory_space<vmem_shared>>
      tpu.enqueue_indirect_dma source(%dma_start3A_59 : memref<10000x128xf32, #tpu.memory_space<vmem_shared>>) target(%dma_start3A_54 : memref<128x128xf32, #tpu.memory_space<vmem>>) offsets(%dma_start3A_56 : memref<128xi32, #tpu.memory_space<vmem>>) semaphore(%arg8 : memref<!tpu.dma_semaphore, #tpu.memory_space<semaphore_mem>>)
      %dma_wait3A = arith.constant 0 : i32
      %dma_wait3A_60 = arith.constant 0 : i32
      %dma_wait3A_61 = tpu.memref_slice %arg6[%dma_wait3A, %dma_wait3A_60] : memref<256x128xf32, #tpu.memory_space<vmem>> -> memref<128x128xf32, #tpu.memory_space<vmem>>
      %dma_wait3A_62 = arith.constant 0 : i32
      %dma_wait3A_63 = tpu.memref_slice %arg5[%dma_wait3A_62] : memref<256xi32, #tpu.memory_space<vmem>> -> memref<128xi32, #tpu.memory_space<vmem>>
      %dma_wait3A_64 = arith.constant 0 : i32
      %dma_wait3A_65 = arith.constant 0 : i32
      %dma_wait3A_66 = tpu.memref_slice %arg7[%dma_wait3A_64, %dma_wait3A_65] : memref<10000x128xf32, #tpu.memory_space<vmem_shared>> -> memref<10000x128xf32, #tpu.memory_space<vmem_shared>>
      tpu.wait_indirect_dma semaphore(%arg8 : memref<!tpu.dma_semaphore, #tpu.memory_space<semaphore_mem>>) src(%dma_wait3A_66 : memref<10000x128xf32, #tpu.memory_space<vmem_shared>>) dst(%dma_wait3A_61 : memref<128x128xf32, #tpu.memory_space<vmem>>)
      %dma_wait3A_67 = arith.constant 128 : i32
      %dma_wait3A_68 = arith.constant 0 : i32
      %dma_wait3A_69 = tpu.memref_slice %arg6[%dma_wait3A_67, %dma_wait3A_68] : memref<256x128xf32, #tpu.memory_space<vmem>> -> memref<128x128xf32, #tpu.memory_space<vmem>>
      %dma_wait3A_70 = arith.constant 128 : i32
      %dma_wait3A_71 = tpu.memref_slice %arg5[%dma_wait3A_70] : memref<256xi32, #tpu.memory_space<vmem>> -> memref<128xi32, #tpu.memory_space<vmem>>
      %dma_wait3A_72 = arith.constant 0 : i32
      %dma_wait3A_73 = arith.constant 0 : i32
      %dma_wait3A_74 = tpu.memref_slice %arg7[%dma_wait3A_72, %dma_wait3A_73] : memref<10000x128xf32, #tpu.memory_space<vmem_shared>> -> memref<10000x128xf32, #tpu.memory_space<vmem_shared>>
      tpu.wait_indirect_dma semaphore(%arg8 : memref<!tpu.dma_semaphore, #tpu.memory_space<semaphore_mem>>) src(%dma_wait3A_74 : memref<10000x128xf32, #tpu.memory_space<vmem_shared>>) dst(%dma_wait3A_69 : memref<128x128xf32, #tpu.memory_space<vmem>>)
      "tpu.region"() ({
        %run_scoped3A = tpu.sem_alloc : memref<!tpu.dma_semaphore, #tpu.memory_space<semaphore_mem>>
        %dma_start3A_76 = arith.constant 0 : i32
        %dma_start3A_77 = tpu.memref_slice %arg4[%mul3A_44, %dma_start3A_76] : memref<160000x128xf32, #tpu.memory_space<hbm>> -> memref<256x128xf32, #tpu.memory_space<hbm>>
        %dma_start3A_78 = arith.constant 0 : i32
        %dma_start3A_79 = tpu.memref_slice %arg4[%mul3A_44, %dma_start3A_78] : memref<160000x128xf32, #tpu.memory_space<hbm>> -> memref<256x128xf32, #tpu.memory_space<hbm>>
        tpu.enqueue_dma source(%arg6 : memref<256x128xf32, #tpu.memory_space<vmem>>) target(%dma_start3A_79 : memref<256x128xf32, #tpu.memory_space<hbm>>) target_semaphore(%run_scoped3A : memref<!tpu.dma_semaphore, #tpu.memory_space<semaphore_mem>>)
        %dma_wait3A_80 = arith.constant 0 : i32
        %dma_wait3A_81 = tpu.memref_slice %arg4[%mul3A_44, %dma_wait3A_80] : memref<160000x128xf32, #tpu.memory_space<hbm>> -> memref<256x128xf32, #tpu.memory_space<hbm>>
        %dma_wait3A_82 = arith.constant 0 : i32
        %dma_wait3A_83 = tpu.memref_slice %arg4[%mul3A_44, %dma_wait3A_82] : memref<160000x128xf32, #tpu.memory_space<hbm>> -> memref<256x128xf32, #tpu.memory_space<hbm>>
        tpu.wait_dma2 semaphore(%run_scoped3A : memref<!tpu.dma_semaphore, #tpu.memory_space<semaphore_mem>>) src(%arg6 : memref<256x128xf32, #tpu.memory_space<vmem>>) dst(%dma_wait3A_83 : memref<256x128xf32, #tpu.memory_space<hbm>>)
        tpu.yield
      }) : () -> ()
      %while3A_75 = arith.constant 0 : i32
      scf.yield %while3A_75 : i32
    }
    return
  }
}

#map = affine_map<(d0, d1) -> (0, 0)>
#map1 = affine_map<(d0, d1) -> (0)>
module attributes {stable_mosaic.version = 14 : i64} {
  func.func @_sc_gather(%arg0: i32, %arg1: i32, %arg2: memref<10000x128xf32, #tpu.memory_space<hbm>>, %arg3: memref<160000xi32, #tpu.memory_space<hbm>>, %arg4: memref<160000x128xf32, #tpu.memory_space<hbm>>, %arg5: memref<256xi32, #tpu.memory_space<vmem>>, %arg6: memref<256x128xf32, #tpu.memory_space<vmem>>, %arg7: memref<10000x128xf32, #tpu.memory_space<vmem_shared>>, %arg8: memref<!tpu.dma_semaphore, #tpu.memory_space<semaphore_mem>>) attributes {dimension_semantics = [#tpu.dimension_semantics<core_parallel>, #tpu.dimension_semantics<subcore_parallel>], iteration_bounds = array<i64: 2, 16>, scalar_prefetch = 0 : i64, scratch_operands = 4 : i64, tpu.core_type = #tpu.core_type<sc_vector_subcore>, window_params = [{transform_indices = #map}, {transform_indices = #map1}, {transform_indices = #map}]} {
    %mul3A = arith.constant 2 : i32
    %mul3A_0 = arith.muli %arg1, %mul3A : i32
    %add3A = arith.addi %mul3A_0, %arg0 : i32
    %mul3A_1 = arith.constant 1000 : i32
    %mul3A_2 = arith.muli %arg1, %mul3A_1 : i32
    %lt3A = arith.constant 10 : i32
    %lt3A_3 = arith.cmpi slt, %arg1, %lt3A : i32
    %convert_element_type3A = arith.extui %lt3A_3 : i1 to i32
    %cond3A = arith.constant 0 : i32
    %cond3A_4 = arith.cmpi ne, %convert_element_type3A, %cond3A : i32
    scf.if %cond3A_4 {
      "tpu.region"() ({
        %run_scoped3A = tpu.sem_alloc : memref<!tpu.dma_semaphore, #tpu.memory_space<semaphore_mem>>
        %dma_start3A = arith.constant 0 : i32
        %dma_start3A_38 = tpu.memref_slice %arg7[%mul3A_2, %dma_start3A] : memref<10000x128xf32, #tpu.memory_space<vmem_shared>> -> memref<1000x128xf32, #tpu.memory_space<vmem_shared>>
        %dma_start3A_39 = arith.constant 0 : i32
        %dma_start3A_40 = tpu.memref_slice %arg2[%mul3A_2, %dma_start3A_39] : memref<10000x128xf32, #tpu.memory_space<hbm>> -> memref<1000x128xf32, #tpu.memory_space<hbm>>
        tpu.enqueue_dma source(%dma_start3A_40 : memref<1000x128xf32, #tpu.memory_space<hbm>>) target(%dma_start3A_38 : memref<1000x128xf32, #tpu.memory_space<vmem_shared>>) target_semaphore(%run_scoped3A : memref<!tpu.dma_semaphore, #tpu.memory_space<semaphore_mem>>)
        %dma_wait3A = arith.constant 0 : i32
        %dma_wait3A_41 = tpu.memref_slice %arg7[%mul3A_2, %dma_wait3A] : memref<10000x128xf32, #tpu.memory_space<vmem_shared>> -> memref<1000x128xf32, #tpu.memory_space<vmem_shared>>
        %dma_wait3A_42 = arith.constant 0 : i32
        %dma_wait3A_43 = tpu.memref_slice %arg2[%mul3A_2, %dma_wait3A_42] : memref<10000x128xf32, #tpu.memory_space<hbm>> -> memref<1000x128xf32, #tpu.memory_space<hbm>>
        tpu.wait_dma2 semaphore(%run_scoped3A : memref<!tpu.dma_semaphore, #tpu.memory_space<semaphore_mem>>) src(%dma_wait3A_43 : memref<1000x128xf32, #tpu.memory_space<hbm>>) dst(%dma_wait3A_41 : memref<1000x128xf32, #tpu.memory_space<vmem_shared>>)
        tpu.yield
      }) : () -> ()
    } else {
    }
    %barrier3A = arith.constant 0 : index
    tpu.barrier barrier_id(%barrier3A)
    %sub3A = arith.constant 625 : i32
    %sub3A_5 = arith.subi %sub3A, %add3A : i32
    %add3A_6 = arith.constant 32 : i32
    %add3A_7 = arith.addi %sub3A_5, %add3A_6 : i32
    %sub3A_8 = arith.constant 1 : i32
    %sub3A_9 = arith.subi %add3A_7, %sub3A_8 : i32
    %jit3A = arith.constant 32 : i32
    %div3A = arith.divsi %sub3A_9, %jit3A : i32
    %sign3A = arith.constant 0 : i32
    %sign3A_10 = arith.cmpi sgt, %sub3A_9, %sign3A : i32
    %sign3A_11 = arith.extui %sign3A_10 : i1 to i32
    %sign3A_12 = arith.constant 0 : i32
    %sign3A_13 = arith.cmpi slt, %sub3A_9, %sign3A_12 : i32
    %sign3A_14 = arith.extui %sign3A_13 : i1 to i32
    %sign3A_15 = arith.subi %sign3A_11, %sign3A_14 : i32
    %sign3A_16 = arith.constant 0 : i32
    %sign3A_17 = arith.cmpi sgt, %jit3A, %sign3A_16 : i32
    %sign3A_18 = arith.extui %sign3A_17 : i1 to i32
    %sign3A_19 = arith.constant 0 : i32
    %sign3A_20 = arith.cmpi slt, %jit3A, %sign3A_19 : i32
    %sign3A_21 = arith.extui %sign3A_20 : i1 to i32
    %sign3A_22 = arith.subi %sign3A_18, %sign3A_21 : i32
    %ne3A = arith.cmpi ne, %sign3A_15, %sign3A_22 : i32
    %rem3A = arith.remsi %sub3A_9, %jit3A : i32
    %ne3A_23 = arith.constant 0 : i32
    %ne3A_24 = arith.cmpi ne, %rem3A, %ne3A_23 : i32
    %and3A = arith.andi %ne3A, %ne3A_24 : i1
    %sub3A_25 = arith.constant 1 : i32
    %sub3A_26 = arith.subi %div3A, %sub3A_25 : i32
    %select_n3A = arith.select %and3A, %sub3A_26, %div3A : i32
    %while3A = arith.constant 0 : i32
    %while3A_27 = arith.constant 0 : i32
    %while3A_28 = arith.subi %select_n3A, %while3A : i32
    %while3A_29 = arith.addi %while3A, %while3A_28 : i32
    %while3A_30 = arith.constant 1 : i32
    %while3A_31 = arith.divsi %while3A_28, %while3A_30 : i32
    %while3A_32 = arith.muli %while3A_31, %while3A_30 : i32
    %while3A_33 = arith.addi %while3A, %while3A_32 : i32
    %while3A_34 = arith.constant 1 : i32
    %while3A_35 = scf.for %while3A_38 = %while3A to %while3A_33 step %while3A_34 iter_args(%while3A_39 = %while3A_27) -> (i32)  : i32 {
      %mul3A_40 = arith.constant 32 : i32
      %mul3A_41 = arith.muli %while3A_38, %mul3A_40 : i32
      %add3A_42 = arith.addi %add3A, %mul3A_41 : i32
      %mul3A_43 = arith.constant 256 : i32
      %mul3A_44 = arith.muli %add3A_42, %mul3A_43 : i32
      "tpu.region"() ({
        %run_scoped3A = tpu.sem_alloc : memref<!tpu.dma_semaphore, #tpu.memory_space<semaphore_mem>>
        %dma_start3A_76 = tpu.memref_slice %arg3[%mul3A_44] : memref<160000xi32, #tpu.memory_space<hbm>> -> memref<256xi32, #tpu.memory_space<hbm>>
        %dma_start3A_77 = tpu.memref_slice %arg3[%mul3A_44] : memref<160000xi32, #tpu.memory_space<hbm>> -> memref<256xi32, #tpu.memory_space<hbm>>
        tpu.enqueue_dma source(%dma_start3A_77 : memref<256xi32, #tpu.memory_space<hbm>>) target(%arg5 : memref<256xi32, #tpu.memory_space<vmem>>) target_semaphore(%run_scoped3A : memref<!tpu.dma_semaphore, #tpu.memory_space<semaphore_mem>>)
        %dma_wait3A_78 = tpu.memref_slice %arg3[%mul3A_44] : memref<160000xi32, #tpu.memory_space<hbm>> -> memref<256xi32, #tpu.memory_space<hbm>>
        %dma_wait3A_79 = tpu.memref_slice %arg3[%mul3A_44] : memref<160000xi32, #tpu.memory_space<hbm>> -> memref<256xi32, #tpu.memory_space<hbm>>
        tpu.wait_dma2 semaphore(%run_scoped3A : memref<!tpu.dma_semaphore, #tpu.memory_space<semaphore_mem>>) src(%dma_wait3A_79 : memref<256xi32, #tpu.memory_space<hbm>>) dst(%arg5 : memref<256xi32, #tpu.memory_space<vmem>>)
        tpu.yield
      }) : () -> ()
      %dma_start3A = arith.constant 0 : i32
      %dma_start3A_45 = arith.constant 0 : i32
      %dma_start3A_46 = tpu.memref_slice %arg6[%dma_start3A, %dma_start3A_45] : memref<256x128xf32, #tpu.memory_space<vmem>> -> memref<128x128xf32, #tpu.memory_space<vmem>>
      %dma_start3A_47 = arith.constant 0 : i32
      %dma_start3A_48 = tpu.memref_slice %arg5[%dma_start3A_47] : memref<256xi32, #tpu.memory_space<vmem>> -> memref<128xi32, #tpu.memory_space<vmem>>
      %dma_start3A_49 = arith.constant 0 : i32
      %dma_start3A_50 = arith.constant 0 : i32
      %dma_start3A_51 = tpu.memref_slice %arg7[%dma_start3A_49, %dma_start3A_50] : memref<10000x128xf32, #tpu.memory_space<vmem_shared>> -> memref<10000x128xf32, #tpu.memory_space<vmem_shared>>
      tpu.enqueue_indirect_dma source(%dma_start3A_51 : memref<10000x128xf32, #tpu.memory_space<vmem_shared>>) target(%dma_start3A_46 : memref<128x128xf32, #tpu.memory_space<vmem>>) offsets(%dma_start3A_48 : memref<128xi32, #tpu.memory_space<vmem>>) semaphore(%arg8 : memref<!tpu.dma_semaphore, #tpu.memory_space<semaphore_mem>>)
      %dma_start3A_52 = arith.constant 128 : i32
      %dma_start3A_53 = arith.constant 0 : i32
      %dma_start3A_54 = tpu.memref_slice %arg6[%dma_start3A_52, %dma_start3A_53] : memref<256x128xf32, #tpu.memory_space<vmem>> -> memref<128x128xf32, #tpu.memory_space<vmem>>
      %dma_start3A_55 = arith.constant 128 : i32
      %dma_start3A_56 = tpu.memref_slice %arg5[%dma_start3A_55] : memref<256xi32, #tpu.memory_space<vmem>> -> memref<128xi32, #tpu.memory_space<vmem>>
      %dma_start3A_57 = arith.constant 0 : i32
      %dma_start3A_58 = arith.constant 0 : i32
      %dma_start3A_59 = tpu.memref_slice %arg7[%dma_start3A_57, %dma_start3A_58] : memref<10000x128xf32, #tpu.memory_space<vmem_shared>> -> memref<10000x128xf32, #tpu.memory_space<vmem_shared>>
      tpu.enqueue_indirect_dma source(%dma_start3A_59 : memref<10000x128xf32, #tpu.memory_space<vmem_shared>>) target(%dma_start3A_54 : memref<128x128xf32, #tpu.memory_space<vmem>>) offsets(%dma_start3A_56 : memref<128xi32, #tpu.memory_space<vmem>>) semaphore(%arg8 : memref<!tpu.dma_semaphore, #tpu.memory_space<semaphore_mem>>)
      %dma_wait3A = arith.constant 0 : i32
      %dma_wait3A_60 = arith.constant 0 : i32
      %dma_wait3A_61 = tpu.memref_slice %arg6[%dma_wait3A, %dma_wait3A_60] : memref<256x128xf32, #tpu.memory_space<vmem>> -> memref<128x128xf32, #tpu.memory_space<vmem>>
      %dma_wait3A_62 = arith.constant 0 : i32
      %dma_wait3A_63 = tpu.memref_slice %arg5[%dma_wait3A_62] : memref<256xi32, #tpu.memory_space<vmem>> -> memref<128xi32, #tpu.memory_space<vmem>>
      %dma_wait3A_64 = arith.constant 0 : i32
      %dma_wait3A_65 = arith.constant 0 : i32
      %dma_wait3A_66 = tpu.memref_slice %arg7[%dma_wait3A_64, %dma_wait3A_65] : memref<10000x128xf32, #tpu.memory_space<vmem_shared>> -> memref<10000x128xf32, #tpu.memory_space<vmem_shared>>
      tpu.wait_indirect_dma semaphore(%arg8 : memref<!tpu.dma_semaphore, #tpu.memory_space<semaphore_mem>>) src(%dma_wait3A_66 : memref<10000x128xf32, #tpu.memory_space<vmem_shared>>) dst(%dma_wait3A_61 : memref<128x128xf32, #tpu.memory_space<vmem>>)
      %dma_wait3A_67 = arith.constant 128 : i32
      %dma_wait3A_68 = arith.constant 0 : i32
      %dma_wait3A_69 = tpu.memref_slice %arg6[%dma_wait3A_67, %dma_wait3A_68] : memref<256x128xf32, #tpu.memory_space<vmem>> -> memref<128x128xf32, #tpu.memory_space<vmem>>
      %dma_wait3A_70 = arith.constant 128 : i32
      %dma_wait3A_71 = tpu.memref_slice %arg5[%dma_wait3A_70] : memref<256xi32, #tpu.memory_space<vmem>> -> memref<128xi32, #tpu.memory_space<vmem>>
      %dma_wait3A_72 = arith.constant 0 : i32
      %dma_wait3A_73 = arith.constant 0 : i32
      %dma_wait3A_74 = tpu.memref_slice %arg7[%dma_wait3A_72, %dma_wait3A_73] : memref<10000x128xf32, #tpu.memory_space<vmem_shared>> -> memref<10000x128xf32, #tpu.memory_space<vmem_shared>>
      tpu.wait_indirect_dma semaphore(%arg8 : memref<!tpu.dma_semaphore, #tpu.memory_space<semaphore_mem>>) src(%dma_wait3A_74 : memref<10000x128xf32, #tpu.memory_space<vmem_shared>>) dst(%dma_wait3A_69 : memref<128x128xf32, #tpu.memory_space<vmem>>)
      "tpu.region"() ({
        %run_scoped3A = tpu.sem_alloc : memref<!tpu.dma_semaphore, #tpu.memory_space<semaphore_mem>>
        %dma_start3A_76 = arith.constant 0 : i32
        %dma_start3A_77 = tpu.memref_slice %arg4[%mul3A_44, %dma_start3A_76] : memref<160000x128xf32, #tpu.memory_space<hbm>> -> memref<256x128xf32, #tpu.memory_space<hbm>>
        %dma_start3A_78 = arith.constant 0 : i32
        %dma_start3A_79 = tpu.memref_slice %arg4[%mul3A_44, %dma_start3A_78] : memref<160000x128xf32, #tpu.memory_space<hbm>> -> memref<256x128xf32, #tpu.memory_space<hbm>>
        tpu.enqueue_dma source(%arg6 : memref<256x128xf32, #tpu.memory_space<vmem>>) target(%dma_start3A_79 : memref<256x128xf32, #tpu.memory_space<hbm>>) target_semaphore(%run_scoped3A : memref<!tpu.dma_semaphore, #tpu.memory_space<semaphore_mem>>)
        %dma_wait3A_80 = arith.constant 0 : i32
        %dma_wait3A_81 = tpu.memref_slice %arg4[%mul3A_44, %dma_wait3A_80] : memref<160000x128xf32, #tpu.memory_space<hbm>> -> memref<256x128xf32, #tpu.memory_space<hbm>>
        %dma_wait3A_82 = arith.constant 0 : i32
        %dma_wait3A_83 = tpu.memref_slice %arg4[%mul3A_44, %dma_wait3A_82] : memref<160000x128xf32, #tpu.memory_space<hbm>> -> memref<256x128xf32, #tpu.memory_space<hbm>>
        tpu.wait_dma2 semaphore(%run_scoped3A : memref<!tpu.dma_semaphore, #tpu.memory_space<semaphore_mem>>) src(%arg6 : memref<256x128xf32, #tpu.memory_space<vmem>>) dst(%dma_wait3A_83 : memref<256x128xf32, #tpu.memory_space<hbm>>)
        tpu.yield
      }) : () -> ()
      %while3A_75 = arith.constant 0 : i32
      scf.yield %while3A_75 : i32
    }
    %while3A_36 = arith.constant 1 : i32
    %while3A_37 = scf.for %while3A_38 = %while3A_33 to %while3A_29 step %while3A_36 iter_args(%while3A_39 = %while3A_35) -> (i32)  : i32 {
      %mul3A_40 = arith.constant 32 : i32
      %mul3A_41 = arith.muli %while3A_38, %mul3A_40 : i32
      %add3A_42 = arith.addi %add3A, %mul3A_41 : i32
      %mul3A_43 = arith.constant 256 : i32
      %mul3A_44 = arith.muli %add3A_42, %mul3A_43 : i32
      "tpu.region"() ({
        %run_scoped3A = tpu.sem_alloc : memref<!tpu.dma_semaphore, #tpu.memory_space<semaphore_mem>>
        %dma_start3A_76 = tpu.memref_slice %arg3[%mul3A_44] : memref<160000xi32, #tpu.memory_space<hbm>> -> memref<256xi32, #tpu.memory_space<hbm>>
        %dma_start3A_77 = tpu.memref_slice %arg3[%mul3A_44] : memref<160000xi32, #tpu.memory_space<hbm>> -> memref<256xi32, #tpu.memory_space<hbm>>
        tpu.enqueue_dma source(%dma_start3A_77 : memref<256xi32, #tpu.memory_space<hbm>>) target(%arg5 : memref<256xi32, #tpu.memory_space<vmem>>) target_semaphore(%run_scoped3A : memref<!tpu.dma_semaphore, #tpu.memory_space<semaphore_mem>>)
        %dma_wait3A_78 = tpu.memref_slice %arg3[%mul3A_44] : memref<160000xi32, #tpu.memory_space<hbm>> -> memref<256xi32, #tpu.memory_space<hbm>>
        %dma_wait3A_79 = tpu.memref_slice %arg3[%mul3A_44] : memref<160000xi32, #tpu.memory_space<hbm>> -> memref<256xi32, #tpu.memory_space<hbm>>
        tpu.wait_dma2 semaphore(%run_scoped3A : memref<!tpu.dma_semaphore, #tpu.memory_space<semaphore_mem>>) src(%dma_wait3A_79 : memref<256xi32, #tpu.memory_space<hbm>>) dst(%arg5 : memref<256xi32, #tpu.memory_space<vmem>>)
        tpu.yield
      }) : () -> ()
      %dma_start3A = arith.constant 0 : i32
      %dma_start3A_45 = arith.constant 0 : i32
      %dma_start3A_46 = tpu.memref_slice %arg6[%dma_start3A, %dma_start3A_45] : memref<256x128xf32, #tpu.memory_space<vmem>> -> memref<128x128xf32, #tpu.memory_space<vmem>>
      %dma_start3A_47 = arith.constant 0 : i32
      %dma_start3A_48 = tpu.memref_slice %arg5[%dma_start3A_47] : memref<256xi32, #tpu.memory_space<vmem>> -> memref<128xi32, #tpu.memory_space<vmem>>
      %dma_start3A_49 = arith.constant 0 : i32
      %dma_start3A_50 = arith.constant 0 : i32
      %dma_start3A_51 = tpu.memref_slice %arg7[%dma_start3A_49, %dma_start3A_50] : memref<10000x128xf32, #tpu.memory_space<vmem_shared>> -> memref<10000x128xf32, #tpu.memory_space<vmem_shared>>
      tpu.enqueue_indirect_dma source(%dma_start3A_51 : memref<10000x128xf32, #tpu.memory_space<vmem_shared>>) target(%dma_start3A_46 : memref<128x128xf32, #tpu.memory_space<vmem>>) offsets(%dma_start3A_48 : memref<128xi32, #tpu.memory_space<vmem>>) semaphore(%arg8 : memref<!tpu.dma_semaphore, #tpu.memory_space<semaphore_mem>>)
      %dma_start3A_52 = arith.constant 128 : i32
      %dma_start3A_53 = arith.constant 0 : i32
      %dma_start3A_54 = tpu.memref_slice %arg6[%dma_start3A_52, %dma_start3A_53] : memref<256x128xf32, #tpu.memory_space<vmem>> -> memref<128x128xf32, #tpu.memory_space<vmem>>
      %dma_start3A_55 = arith.constant 128 : i32
      %dma_start3A_56 = tpu.memref_slice %arg5[%dma_start3A_55] : memref<256xi32, #tpu.memory_space<vmem>> -> memref<128xi32, #tpu.memory_space<vmem>>
      %dma_start3A_57 = arith.constant 0 : i32
      %dma_start3A_58 = arith.constant 0 : i32
      %dma_start3A_59 = tpu.memref_slice %arg7[%dma_start3A_57, %dma_start3A_58] : memref<10000x128xf32, #tpu.memory_space<vmem_shared>> -> memref<10000x128xf32, #tpu.memory_space<vmem_shared>>
      tpu.enqueue_indirect_dma source(%dma_start3A_59 : memref<10000x128xf32, #tpu.memory_space<vmem_shared>>) target(%dma_start3A_54 : memref<128x128xf32, #tpu.memory_space<vmem>>) offsets(%dma_start3A_56 : memref<128xi32, #tpu.memory_space<vmem>>) semaphore(%arg8 : memref<!tpu.dma_semaphore, #tpu.memory_space<semaphore_mem>>)
      %dma_wait3A = arith.constant 0 : i32
      %dma_wait3A_60 = arith.constant 0 : i32
      %dma_wait3A_61 = tpu.memref_slice %arg6[%dma_wait3A, %dma_wait3A_60] : memref<256x128xf32, #tpu.memory_space<vmem>> -> memref<128x128xf32, #tpu.memory_space<vmem>>
      %dma_wait3A_62 = arith.constant 0 : i32
      %dma_wait3A_63 = tpu.memref_slice %arg5[%dma_wait3A_62] : memref<256xi32, #tpu.memory_space<vmem>> -> memref<128xi32, #tpu.memory_space<vmem>>
      %dma_wait3A_64 = arith.constant 0 : i32
      %dma_wait3A_65 = arith.constant 0 : i32
      %dma_wait3A_66 = tpu.memref_slice %arg7[%dma_wait3A_64, %dma_wait3A_65] : memref<10000x128xf32, #tpu.memory_space<vmem_shared>> -> memref<10000x128xf32, #tpu.memory_space<vmem_shared>>
      tpu.wait_indirect_dma semaphore(%arg8 : memref<!tpu.dma_semaphore, #tpu.memory_space<semaphore_mem>>) src(%dma_wait3A_66 : memref<10000x128xf32, #tpu.memory_space<vmem_shared>>) dst(%dma_wait3A_61 : memref<128x128xf32, #tpu.memory_space<vmem>>)
      %dma_wait3A_67 = arith.constant 128 : i32
      %dma_wait3A_68 = arith.constant 0 : i32
      %dma_wait3A_69 = tpu.memref_slice %arg6[%dma_wait3A_67, %dma_wait3A_68] : memref<256x128xf32, #tpu.memory_space<vmem>> -> memref<128x128xf32, #tpu.memory_space<vmem>>
      %dma_wait3A_70 = arith.constant 128 : i32
      %dma_wait3A_71 = tpu.memref_slice %arg5[%dma_wait3A_70] : memref<256xi32, #tpu.memory_space<vmem>> -> memref<128xi32, #tpu.memory_space<vmem>>
      %dma_wait3A_72 = arith.constant 0 : i32
      %dma_wait3A_73 = arith.constant 0 : i32
      %dma_wait3A_74 = tpu.memref_slice %arg7[%dma_wait3A_72, %dma_wait3A_73] : memref<10000x128xf32, #tpu.memory_space<vmem_shared>> -> memref<10000x128xf32, #tpu.memory_space<vmem_shared>>
      tpu.wait_indirect_dma semaphore(%arg8 : memref<!tpu.dma_semaphore, #tpu.memory_space<semaphore_mem>>) src(%dma_wait3A_74 : memref<10000x128xf32, #tpu.memory_space<vmem_shared>>) dst(%dma_wait3A_69 : memref<128x128xf32, #tpu.memory_space<vmem>>)
      "tpu.region"() ({
        %run_scoped3A = tpu.sem_alloc : memref<!tpu.dma_semaphore, #tpu.memory_space<semaphore_mem>>
        %dma_start3A_76 = arith.constant 0 : i32
        %dma_start3A_77 = tpu.memref_slice %arg4[%mul3A_44, %dma_start3A_76] : memref<160000x128xf32, #tpu.memory_space<hbm>> -> memref<256x128xf32, #tpu.memory_space<hbm>>
        %dma_start3A_78 = arith.constant 0 : i32
        %dma_start3A_79 = tpu.memref_slice %arg4[%mul3A_44, %dma_start3A_78] : memref<160000x128xf32, #tpu.memory_space<hbm>> -> memref<256x128xf32, #tpu.memory_space<hbm>>
        tpu.enqueue_dma source(%arg6 : memref<256x128xf32, #tpu.memory_space<vmem>>) target(%dma_start3A_79 : memref<256x128xf32, #tpu.memory_space<hbm>>) target_semaphore(%run_scoped3A : memref<!tpu.dma_semaphore, #tpu.memory_space<semaphore_mem>>)
        %dma_wait3A_80 = arith.constant 0 : i32
        %dma_wait3A_81 = tpu.memref_slice %arg4[%mul3A_44, %dma_wait3A_80] : memref<160000x128xf32, #tpu.memory_space<hbm>> -> memref<256x128xf32, #tpu.memory_space<hbm>>
        %dma_wait3A_82 = arith.constant 0 : i32
        %dma_wait3A_83 = tpu.memref_slice %arg4[%mul3A_44, %dma_wait3A_82] : memref<160000x128xf32, #tpu.memory_space<hbm>> -> memref<256x128xf32, #tpu.memory_space<hbm>>
        tpu.wait_dma2 semaphore(%run_scoped3A : memref<!tpu.dma_semaphore, #tpu.memory_space<semaphore_mem>>) src(%arg6 : memref<256x128xf32, #tpu.memory_space<vmem>>) dst(%dma_wait3A_83 : memref<256x128xf32, #tpu.memory_space<hbm>>)
        tpu.yield
      }) : () -> ()
      %while3A_75 = arith.constant 0 : i32
      scf.yield %while3A_75 : i32
    }
    return
  }
}

#map = affine_map<(d0, d1) -> (0, 0)>
#map1 = affine_map<(d0, d1) -> (0)>
#map2 = affine_map<(d0, d1) -> (0, 0, 0)>
module attributes {stable_mosaic.version = 14 : i64} {
  func.func @_sc_scatter(%arg0: i32, %arg1: i32, %arg2: memref<1000x128xf32, #tpu.memory_space<hbm>>, %arg3: memref<160000xi32, #tpu.memory_space<hbm>>, %arg4: memref<160000x128xf32, #tpu.memory_space<hbm>>, %arg5: memref<2x10000x128xf32, #tpu.memory_space<hbm>>, %arg6: memref<128xi32, #tpu.memory_space<vmem>>, %arg7: memref<128xi32, #tpu.memory_space<vmem>>, %arg8: memref<256x128xf32, #tpu.memory_space<vmem>>, %arg9: memref<10000x128xf32, #tpu.memory_space<vmem_shared>>, %arg10: memref<!tpu.dma_semaphore, #tpu.memory_space<semaphore_mem>>) attributes {dimension_semantics = [#tpu.dimension_semantics<core_parallel>, #tpu.dimension_semantics<subcore_parallel>], iteration_bounds = array<i64: 2, 16>, scalar_prefetch = 0 : i64, scratch_operands = 5 : i64, tpu.core_type = #tpu.core_type<sc_vector_subcore>, window_params = [{transform_indices = #map}, {transform_indices = #map1}, {transform_indices = #map}, {transform_indices = #map2}]} {
    %mul3A = arith.constant 1000 : i32
    %mul3A_0 = arith.muli %arg1, %mul3A : i32
    %lt3A = arith.constant 10 : i32
    %lt3A_1 = arith.cmpi slt, %arg1, %lt3A : i32
    %convert_element_type3A = arith.extui %lt3A_1 : i1 to i32
    %cond3A = arith.constant 0 : i32
    %cond3A_2 = arith.cmpi ne, %convert_element_type3A, %cond3A : i32
    scf.if %cond3A_2 {
      "tpu.region"() ({
        %run_scoped3A = tpu.sem_alloc : memref<!tpu.dma_semaphore, #tpu.memory_space<semaphore_mem>>
        %dma_start3A = arith.constant 0 : i32
        %dma_start3A_46 = tpu.memref_slice %arg9[%mul3A_0, %dma_start3A] : memref<10000x128xf32, #tpu.memory_space<vmem_shared>> -> memref<1000x128xf32, #tpu.memory_space<vmem_shared>>
        tpu.enqueue_dma source(%arg2 : memref<1000x128xf32, #tpu.memory_space<hbm>>) target(%dma_start3A_46 : memref<1000x128xf32, #tpu.memory_space<vmem_shared>>) target_semaphore(%run_scoped3A : memref<!tpu.dma_semaphore, #tpu.memory_space<semaphore_mem>>)
        %dma_wait3A = arith.constant 0 : i32
        %dma_wait3A_47 = tpu.memref_slice %arg9[%mul3A_0, %dma_wait3A] : memref<10000x128xf32, #tpu.memory_space<vmem_shared>> -> memref<1000x128xf32, #tpu.memory_space<vmem_shared>>
        tpu.wait_dma2 semaphore(%run_scoped3A : memref<!tpu.dma_semaphore, #tpu.memory_space<semaphore_mem>>) src(%arg2 : memref<1000x128xf32, #tpu.memory_space<hbm>>) dst(%dma_wait3A_47 : memref<1000x128xf32, #tpu.memory_space<vmem_shared>>)
        tpu.yield
      }) : () -> ()
    } else {
    }
    %barrier3A = arith.constant 0 : index
    tpu.barrier barrier_id(%barrier3A)
    %mul3A_3 = arith.constant 313 : i32
    %mul3A_4 = arith.muli %arg0, %mul3A_3 : i32
    %eq3A = arith.constant 0 : i32
    %eq3A_5 = arith.cmpi eq, %arg0, %eq3A : i32
    %jit3A = arith.constant 313 : i32
    %jit3A_6 = arith.constant 312 : i32
    %select_n3A = arith.select %eq3A_5, %jit3A, %jit3A_6 : i32
    %sub3A = arith.subi %select_n3A, %arg1 : i32
    %add3A = arith.constant 16 : i32
    %add3A_7 = arith.addi %sub3A, %add3A : i32
    %sub3A_8 = arith.constant 1 : i32
    %sub3A_9 = arith.subi %add3A_7, %sub3A_8 : i32
    %jit3A_10 = arith.constant 16 : i32
    %div3A = arith.divsi %sub3A_9, %jit3A_10 : i32
    %sign3A = arith.constant 0 : i32
    %sign3A_11 = arith.cmpi sgt, %sub3A_9, %sign3A : i32
    %sign3A_12 = arith.extui %sign3A_11 : i1 to i32
    %sign3A_13 = arith.constant 0 : i32
    %sign3A_14 = arith.cmpi slt, %sub3A_9, %sign3A_13 : i32
    %sign3A_15 = arith.extui %sign3A_14 : i1 to i32
    %sign3A_16 = arith.subi %sign3A_12, %sign3A_15 : i32
    %sign3A_17 = arith.constant 0 : i32
    %sign3A_18 = arith.cmpi sgt, %jit3A_10, %sign3A_17 : i32
    %sign3A_19 = arith.extui %sign3A_18 : i1 to i32
    %sign3A_20 = arith.constant 0 : i32
    %sign3A_21 = arith.cmpi slt, %jit3A_10, %sign3A_20 : i32
    %sign3A_22 = arith.extui %sign3A_21 : i1 to i32
    %sign3A_23 = arith.subi %sign3A_19, %sign3A_22 : i32
    %ne3A = arith.cmpi ne, %sign3A_16, %sign3A_23 : i32
    %rem3A = arith.remsi %sub3A_9, %jit3A_10 : i32
    %ne3A_24 = arith.constant 0 : i32
    %ne3A_25 = arith.cmpi ne, %rem3A, %ne3A_24 : i32
    %and3A = arith.andi %ne3A, %ne3A_25 : i1
    %sub3A_26 = arith.constant 1 : i32
    %sub3A_27 = arith.subi %div3A, %sub3A_26 : i32
    %select_n3A_28 = arith.select %and3A, %sub3A_27, %div3A : i32
    %while3A = arith.constant 0 : i32
    %while3A_29 = arith.constant 0 : i32
    %while3A_30 = arith.subi %select_n3A_28, %while3A : i32
    %while3A_31 = arith.addi %while3A, %while3A_30 : i32
    %while3A_32 = arith.constant 1 : i32
    %while3A_33 = arith.divsi %while3A_30, %while3A_32 : i32
    %while3A_34 = arith.muli %while3A_33, %while3A_32 : i32
    %while3A_35 = arith.addi %while3A, %while3A_34 : i32
    %while3A_36 = arith.constant 1 : i32
    %while3A_37 = scf.for %while3A_46 = %while3A to %while3A_35 step %while3A_36 iter_args(%while3A_47 = %while3A_29) -> (i32)  : i32 {
      %add3A_48 = arith.addi %mul3A_4, %arg1 : i32
      %mul3A_49 = arith.constant 16 : i32
      %mul3A_50 = arith.muli %while3A_46, %mul3A_49 : i32
      %add3A_51 = arith.addi %add3A_48, %mul3A_50 : i32
      %mul3A_52 = arith.constant 256 : i32
      %mul3A_53 = arith.muli %add3A_51, %mul3A_52 : i32
      "tpu.region"() ({
        %run_scoped3A = tpu.sem_alloc : memref<!tpu.dma_semaphore, #tpu.memory_space<semaphore_mem>>
        %dma_start3A_79 = tpu.memref_slice %arg3[%mul3A_53] : memref<160000xi32, #tpu.memory_space<hbm>> -> memref<128xi32, #tpu.memory_space<hbm>>
        %dma_start3A_80 = tpu.memref_slice %arg3[%mul3A_53] : memref<160000xi32, #tpu.memory_space<hbm>> -> memref<128xi32, #tpu.memory_space<hbm>>
        tpu.enqueue_dma source(%dma_start3A_80 : memref<128xi32, #tpu.memory_space<hbm>>) target(%arg6 : memref<128xi32, #tpu.memory_space<vmem>>) target_semaphore(%run_scoped3A : memref<!tpu.dma_semaphore, #tpu.memory_space<semaphore_mem>>)
        %dma_wait3A_81 = tpu.memref_slice %arg3[%mul3A_53] : memref<160000xi32, #tpu.memory_space<hbm>> -> memref<128xi32, #tpu.memory_space<hbm>>
        %dma_wait3A_82 = tpu.memref_slice %arg3[%mul3A_53] : memref<160000xi32, #tpu.memory_space<hbm>> -> memref<128xi32, #tpu.memory_space<hbm>>
        tpu.wait_dma2 semaphore(%run_scoped3A : memref<!tpu.dma_semaphore, #tpu.memory_space<semaphore_mem>>) src(%dma_wait3A_82 : memref<128xi32, #tpu.memory_space<hbm>>) dst(%arg6 : memref<128xi32, #tpu.memory_space<vmem>>)
        tpu.yield
      }) : () -> ()
      %add3A_54 = arith.constant 128 : i32
      %add3A_55 = arith.addi %mul3A_53, %add3A_54 : i32
      "tpu.region"() ({
        %run_scoped3A = tpu.sem_alloc : memref<!tpu.dma_semaphore, #tpu.memory_space<semaphore_mem>>
        %dma_start3A_79 = tpu.memref_slice %arg3[%add3A_55] : memref<160000xi32, #tpu.memory_space<hbm>> -> memref<128xi32, #tpu.memory_space<hbm>>
        %dma_start3A_80 = tpu.memref_slice %arg3[%add3A_55] : memref<160000xi32, #tpu.memory_space<hbm>> -> memref<128xi32, #tpu.memory_space<hbm>>
        tpu.enqueue_dma source(%dma_start3A_80 : memref<128xi32, #tpu.memory_space<hbm>>) target(%arg7 : memref<128xi32, #tpu.memory_space<vmem>>) target_semaphore(%run_scoped3A : memref<!tpu.dma_semaphore, #tpu.memory_space<semaphore_mem>>)
        %dma_wait3A_81 = tpu.memref_slice %arg3[%add3A_55] : memref<160000xi32, #tpu.memory_space<hbm>> -> memref<128xi32, #tpu.memory_space<hbm>>
        %dma_wait3A_82 = tpu.memref_slice %arg3[%add3A_55] : memref<160000xi32, #tpu.memory_space<hbm>> -> memref<128xi32, #tpu.memory_space<hbm>>
        tpu.wait_dma2 semaphore(%run_scoped3A : memref<!tpu.dma_semaphore, #tpu.memory_space<semaphore_mem>>) src(%dma_wait3A_82 : memref<128xi32, #tpu.memory_space<hbm>>) dst(%arg7 : memref<128xi32, #tpu.memory_space<vmem>>)
        tpu.yield
      }) : () -> ()
      "tpu.region"() ({
        %run_scoped3A = tpu.sem_alloc : memref<!tpu.dma_semaphore, #tpu.memory_space<semaphore_mem>>
        %dma_start3A_79 = arith.constant 0 : i32
        %dma_start3A_80 = tpu.memref_slice %arg4[%mul3A_53, %dma_start3A_79] : memref<160000x128xf32, #tpu.memory_space<hbm>> -> memref<256x128xf32, #tpu.memory_space<hbm>>
        %dma_start3A_81 = arith.constant 0 : i32
        %dma_start3A_82 = tpu.memref_slice %arg4[%mul3A_53, %dma_start3A_81] : memref<160000x128xf32, #tpu.memory_space<hbm>> -> memref<256x128xf32, #tpu.memory_space<hbm>>
        tpu.enqueue_dma source(%dma_start3A_82 : memref<256x128xf32, #tpu.memory_space<hbm>>) target(%arg8 : memref<256x128xf32, #tpu.memory_space<vmem>>) target_semaphore(%run_scoped3A : memref<!tpu.dma_semaphore, #tpu.memory_space<semaphore_mem>>)
        %dma_wait3A_83 = arith.constant 0 : i32
        %dma_wait3A_84 = tpu.memref_slice %arg4[%mul3A_53, %dma_wait3A_83] : memref<160000x128xf32, #tpu.memory_space<hbm>> -> memref<256x128xf32, #tpu.memory_space<hbm>>
        %dma_wait3A_85 = arith.constant 0 : i32
        %dma_wait3A_86 = tpu.memref_slice %arg4[%mul3A_53, %dma_wait3A_85] : memref<160000x128xf32, #tpu.memory_space<hbm>> -> memref<256x128xf32, #tpu.memory_space<hbm>>
        tpu.wait_dma2 semaphore(%run_scoped3A : memref<!tpu.dma_semaphore, #tpu.memory_space<semaphore_mem>>) src(%dma_wait3A_86 : memref<256x128xf32, #tpu.memory_space<hbm>>) dst(%arg8 : memref<256x128xf32, #tpu.memory_space<vmem>>)
        tpu.yield
      }) : () -> ()
      %dma_start3A = arith.constant 0 : i32
      %dma_start3A_56 = arith.constant 0 : i32
      %dma_start3A_57 = tpu.memref_slice %arg8[%dma_start3A, %dma_start3A_56] : memref<256x128xf32, #tpu.memory_space<vmem>> -> memref<128x128xf32, #tpu.memory_space<vmem>>
      %dma_start3A_58 = arith.constant 0 : i32
      %dma_start3A_59 = arith.constant 0 : i32
      %dma_start3A_60 = tpu.memref_slice %arg9[%dma_start3A_58, %dma_start3A_59] : memref<10000x128xf32, #tpu.memory_space<vmem_shared>> -> memref<10000x128xf32, #tpu.memory_space<vmem_shared>>
      tpu.enqueue_indirect_dma source(%dma_start3A_57 : memref<128x128xf32, #tpu.memory_space<vmem>>) target(%dma_start3A_60 : memref<10000x128xf32, #tpu.memory_space<vmem_shared>>) offsets(%arg6 : memref<128xi32, #tpu.memory_space<vmem>>) semaphore(%arg10 : memref<!tpu.dma_semaphore, #tpu.memory_space<semaphore_mem>>) {add = true}
      %dma_start3A_61 = arith.constant 128 : i32
      %dma_start3A_62 = arith.constant 0 : i32
      %dma_start3A_63 = tpu.memref_slice %arg8[%dma_start3A_61, %dma_start3A_62] : memref<256x128xf32, #tpu.memory_space<vmem>> -> memref<128x128xf32, #tpu.memory_space<vmem>>
      %dma_start3A_64 = arith.constant 0 : i32
      %dma_start3A_65 = arith.constant 0 : i32
      %dma_start3A_66 = tpu.memref_slice %arg9[%dma_start3A_64, %dma_start3A_65] : memref<10000x128xf32, #tpu.memory_space<vmem_shared>> -> memref<10000x128xf32, #tpu.memory_space<vmem_shared>>
      tpu.enqueue_indirect_dma source(%dma_start3A_63 : memref<128x128xf32, #tpu.memory_space<vmem>>) target(%dma_start3A_66 : memref<10000x128xf32, #tpu.memory_space<vmem_shared>>) offsets(%arg7 : memref<128xi32, #tpu.memory_space<vmem>>) semaphore(%arg10 : memref<!tpu.dma_semaphore, #tpu.memory_space<semaphore_mem>>) {add = true}
      %dma_wait3A = arith.constant 0 : i32
      %dma_wait3A_67 = arith.constant 0 : i32
      %dma_wait3A_68 = tpu.memref_slice %arg8[%dma_wait3A, %dma_wait3A_67] : memref<256x128xf32, #tpu.memory_space<vmem>> -> memref<128x128xf32, #tpu.memory_space<vmem>>
      %dma_wait3A_69 = arith.constant 0 : i32
      %dma_wait3A_70 = arith.constant 0 : i32
      %dma_wait3A_71 = tpu.memref_slice %arg9[%dma_wait3A_69, %dma_wait3A_70] : memref<10000x128xf32, #tpu.memory_space<vmem_shared>> -> memref<10000x128xf32, #tpu.memory_space<vmem_shared>>
      tpu.wait_indirect_dma semaphore(%arg10 : memref<!tpu.dma_semaphore, #tpu.memory_space<semaphore_mem>>) src(%dma_wait3A_68 : memref<128x128xf32, #tpu.memory_space<vmem>>) dst(%dma_wait3A_71 : memref<10000x128xf32, #tpu.memory_space<vmem_shared>>)
      %dma_wait3A_72 = arith.constant 128 : i32
      %dma_wait3A_73 = arith.constant 0 : i32
      %dma_wait3A_74 = tpu.memref_slice %arg8[%dma_wait3A_72, %dma_wait3A_73] : memref<256x128xf32, #tpu.memory_space<vmem>> -> memref<128x128xf32, #tpu.memory_space<vmem>>
      %dma_wait3A_75 = arith.constant 0 : i32
      %dma_wait3A_76 = arith.constant 0 : i32
      %dma_wait3A_77 = tpu.memref_slice %arg9[%dma_wait3A_75, %dma_wait3A_76] : memref<10000x128xf32, #tpu.memory_space<vmem_shared>> -> memref<10000x128xf32, #tpu.memory_space<vmem_shared>>
      tpu.wait_indirect_dma semaphore(%arg10 : memref<!tpu.dma_semaphore, #tpu.memory_space<semaphore_mem>>) src(%dma_wait3A_74 : memref<128x128xf32, #tpu.memory_space<vmem>>) dst(%dma_wait3A_77 : memref<10000x128xf32, #tpu.memory_space<vmem_shared>>)
      %while3A_78 = arith.constant 0 : i32
      scf.yield %while3A_78 : i32
    }
    %while3A_38 = arith.constant 1 : i32
    %while3A_39 = scf.for %while3A_46 = %while3A_35 to %while3A_31 step %while3A_38 iter_args(%while3A_47 = %while3A_37) -> (i32)  : i32 {
      %add3A_48 = arith.addi %mul3A_4, %arg1 : i32
      %mul3A_49 = arith.constant 16 : i32
      %mul3A_50 = arith.muli %while3A_46, %mul3A_49 : i32
      %add3A_51 = arith.addi %add3A_48, %mul3A_50 : i32
      %mul3A_52 = arith.constant 256 : i32
      %mul3A_53 = arith.muli %add3A_51, %mul3A_52 : i32
      "tpu.region"() ({
        %run_scoped3A = tpu.sem_alloc : memref<!tpu.dma_semaphore, #tpu.memory_space<semaphore_mem>>
        %dma_start3A_79 = tpu.memref_slice %arg3[%mul3A_53] : memref<160000xi32, #tpu.memory_space<hbm>> -> memref<128xi32, #tpu.memory_space<hbm>>
        %dma_start3A_80 = tpu.memref_slice %arg3[%mul3A_53] : memref<160000xi32, #tpu.memory_space<hbm>> -> memref<128xi32, #tpu.memory_space<hbm>>
        tpu.enqueue_dma source(%dma_start3A_80 : memref<128xi32, #tpu.memory_space<hbm>>) target(%arg6 : memref<128xi32, #tpu.memory_space<vmem>>) target_semaphore(%run_scoped3A : memref<!tpu.dma_semaphore, #tpu.memory_space<semaphore_mem>>)
        %dma_wait3A_81 = tpu.memref_slice %arg3[%mul3A_53] : memref<160000xi32, #tpu.memory_space<hbm>> -> memref<128xi32, #tpu.memory_space<hbm>>
        %dma_wait3A_82 = tpu.memref_slice %arg3[%mul3A_53] : memref<160000xi32, #tpu.memory_space<hbm>> -> memref<128xi32, #tpu.memory_space<hbm>>
        tpu.wait_dma2 semaphore(%run_scoped3A : memref<!tpu.dma_semaphore, #tpu.memory_space<semaphore_mem>>) src(%dma_wait3A_82 : memref<128xi32, #tpu.memory_space<hbm>>) dst(%arg6 : memref<128xi32, #tpu.memory_space<vmem>>)
        tpu.yield
      }) : () -> ()
      %add3A_54 = arith.constant 128 : i32
      %add3A_55 = arith.addi %mul3A_53, %add3A_54 : i32
      "tpu.region"() ({
        %run_scoped3A = tpu.sem_alloc : memref<!tpu.dma_semaphore, #tpu.memory_space<semaphore_mem>>
        %dma_start3A_79 = tpu.memref_slice %arg3[%add3A_55] : memref<160000xi32, #tpu.memory_space<hbm>> -> memref<128xi32, #tpu.memory_space<hbm>>
        %dma_start3A_80 = tpu.memref_slice %arg3[%add3A_55] : memref<160000xi32, #tpu.memory_space<hbm>> -> memref<128xi32, #tpu.memory_space<hbm>>
        tpu.enqueue_dma source(%dma_start3A_80 : memref<128xi32, #tpu.memory_space<hbm>>) target(%arg7 : memref<128xi32, #tpu.memory_space<vmem>>) target_semaphore(%run_scoped3A : memref<!tpu.dma_semaphore, #tpu.memory_space<semaphore_mem>>)
        %dma_wait3A_81 = tpu.memref_slice %arg3[%add3A_55] : memref<160000xi32, #tpu.memory_space<hbm>> -> memref<128xi32, #tpu.memory_space<hbm>>
        %dma_wait3A_82 = tpu.memref_slice %arg3[%add3A_55] : memref<160000xi32, #tpu.memory_space<hbm>> -> memref<128xi32, #tpu.memory_space<hbm>>
        tpu.wait_dma2 semaphore(%run_scoped3A : memref<!tpu.dma_semaphore, #tpu.memory_space<semaphore_mem>>) src(%dma_wait3A_82 : memref<128xi32, #tpu.memory_space<hbm>>) dst(%arg7 : memref<128xi32, #tpu.memory_space<vmem>>)
        tpu.yield
      }) : () -> ()
      "tpu.region"() ({
        %run_scoped3A = tpu.sem_alloc : memref<!tpu.dma_semaphore, #tpu.memory_space<semaphore_mem>>
        %dma_start3A_79 = arith.constant 0 : i32
        %dma_start3A_80 = tpu.memref_slice %arg4[%mul3A_53, %dma_start3A_79] : memref<160000x128xf32, #tpu.memory_space<hbm>> -> memref<256x128xf32, #tpu.memory_space<hbm>>
        %dma_start3A_81 = arith.constant 0 : i32
        %dma_start3A_82 = tpu.memref_slice %arg4[%mul3A_53, %dma_start3A_81] : memref<160000x128xf32, #tpu.memory_space<hbm>> -> memref<256x128xf32, #tpu.memory_space<hbm>>
        tpu.enqueue_dma source(%dma_start3A_82 : memref<256x128xf32, #tpu.memory_space<hbm>>) target(%arg8 : memref<256x128xf32, #tpu.memory_space<vmem>>) target_semaphore(%run_scoped3A : memref<!tpu.dma_semaphore, #tpu.memory_space<semaphore_mem>>)
        %dma_wait3A_83 = arith.constant 0 : i32
        %dma_wait3A_84 = tpu.memref_slice %arg4[%mul3A_53, %dma_wait3A_83] : memref<160000x128xf32, #tpu.memory_space<hbm>> -> memref<256x128xf32, #tpu.memory_space<hbm>>
        %dma_wait3A_85 = arith.constant 0 : i32
        %dma_wait3A_86 = tpu.memref_slice %arg4[%mul3A_53, %dma_wait3A_85] : memref<160000x128xf32, #tpu.memory_space<hbm>> -> memref<256x128xf32, #tpu.memory_space<hbm>>
        tpu.wait_dma2 semaphore(%run_scoped3A : memref<!tpu.dma_semaphore, #tpu.memory_space<semaphore_mem>>) src(%dma_wait3A_86 : memref<256x128xf32, #tpu.memory_space<hbm>>) dst(%arg8 : memref<256x128xf32, #tpu.memory_space<vmem>>)
        tpu.yield
      }) : () -> ()
      %dma_start3A = arith.constant 0 : i32
      %dma_start3A_56 = arith.constant 0 : i32
      %dma_start3A_57 = tpu.memref_slice %arg8[%dma_start3A, %dma_start3A_56] : memref<256x128xf32, #tpu.memory_space<vmem>> -> memref<128x128xf32, #tpu.memory_space<vmem>>
      %dma_start3A_58 = arith.constant 0 : i32
      %dma_start3A_59 = arith.constant 0 : i32
      %dma_start3A_60 = tpu.memref_slice %arg9[%dma_start3A_58, %dma_start3A_59] : memref<10000x128xf32, #tpu.memory_space<vmem_shared>> -> memref<10000x128xf32, #tpu.memory_space<vmem_shared>>
      tpu.enqueue_indirect_dma source(%dma_start3A_57 : memref<128x128xf32, #tpu.memory_space<vmem>>) target(%dma_start3A_60 : memref<10000x128xf32, #tpu.memory_space<vmem_shared>>) offsets(%arg6 : memref<128xi32, #tpu.memory_space<vmem>>) semaphore(%arg10 : memref<!tpu.dma_semaphore, #tpu.memory_space<semaphore_mem>>) {add = true}
      %dma_start3A_61 = arith.constant 128 : i32
      %dma_start3A_62 = arith.constant 0 : i32
      %dma_start3A_63 = tpu.memref_slice %arg8[%dma_start3A_61, %dma_start3A_62] : memref<256x128xf32, #tpu.memory_space<vmem>> -> memref<128x128xf32, #tpu.memory_space<vmem>>
      %dma_start3A_64 = arith.constant 0 : i32
      %dma_start3A_65 = arith.constant 0 : i32
      %dma_start3A_66 = tpu.memref_slice %arg9[%dma_start3A_64, %dma_start3A_65] : memref<10000x128xf32, #tpu.memory_space<vmem_shared>> -> memref<10000x128xf32, #tpu.memory_space<vmem_shared>>
      tpu.enqueue_indirect_dma source(%dma_start3A_63 : memref<128x128xf32, #tpu.memory_space<vmem>>) target(%dma_start3A_66 : memref<10000x128xf32, #tpu.memory_space<vmem_shared>>) offsets(%arg7 : memref<128xi32, #tpu.memory_space<vmem>>) semaphore(%arg10 : memref<!tpu.dma_semaphore, #tpu.memory_space<semaphore_mem>>) {add = true}
      %dma_wait3A = arith.constant 0 : i32
      %dma_wait3A_67 = arith.constant 0 : i32
      %dma_wait3A_68 = tpu.memref_slice %arg8[%dma_wait3A, %dma_wait3A_67] : memref<256x128xf32, #tpu.memory_space<vmem>> -> memref<128x128xf32, #tpu.memory_space<vmem>>
      %dma_wait3A_69 = arith.constant 0 : i32
      %dma_wait3A_70 = arith.constant 0 : i32
      %dma_wait3A_71 = tpu.memref_slice %arg9[%dma_wait3A_69, %dma_wait3A_70] : memref<10000x128xf32, #tpu.memory_space<vmem_shared>> -> memref<10000x128xf32, #tpu.memory_space<vmem_shared>>
      tpu.wait_indirect_dma semaphore(%arg10 : memref<!tpu.dma_semaphore, #tpu.memory_space<semaphore_mem>>) src(%dma_wait3A_68 : memref<128x128xf32, #tpu.memory_space<vmem>>) dst(%dma_wait3A_71 : memref<10000x128xf32, #tpu.memory_space<vmem_shared>>)
      %dma_wait3A_72 = arith.constant 128 : i32
      %dma_wait3A_73 = arith.constant 0 : i32
      %dma_wait3A_74 = tpu.memref_slice %arg8[%dma_wait3A_72, %dma_wait3A_73] : memref<256x128xf32, #tpu.memory_space<vmem>> -> memref<128x128xf32, #tpu.memory_space<vmem>>
      %dma_wait3A_75 = arith.constant 0 : i32
      %dma_wait3A_76 = arith.constant 0 : i32
      %dma_wait3A_77 = tpu.memref_slice %arg9[%dma_wait3A_75, %dma_wait3A_76] : memref<10000x128xf32, #tpu.memory_space<vmem_shared>> -> memref<10000x128xf32, #tpu.memory_space<vmem_shared>>
      tpu.wait_indirect_dma semaphore(%arg10 : memref<!tpu.dma_semaphore, #tpu.memory_space<semaphore_mem>>) src(%dma_wait3A_74 : memref<128x128xf32, #tpu.memory_space<vmem>>) dst(%dma_wait3A_77 : memref<10000x128xf32, #tpu.memory_space<vmem_shared>>)
      %while3A_78 = arith.constant 0 : i32
      scf.yield %while3A_78 : i32
    }
    %barrier3A_40 = arith.constant 0 : index
    tpu.barrier barrier_id(%barrier3A_40)
    %lt3A_41 = arith.constant 10 : i32
    %lt3A_42 = arith.cmpi slt, %arg1, %lt3A_41 : i32
    %convert_element_type3A_43 = arith.extui %lt3A_42 : i1 to i32
    %cond3A_44 = arith.constant 0 : i32
    %cond3A_45 = arith.cmpi ne, %convert_element_type3A_43, %cond3A_44 : i32
    scf.if %cond3A_45 {
      "tpu.region"() ({
        %run_scoped3A = tpu.sem_alloc : memref<!tpu.dma_semaphore, #tpu.memory_space<semaphore_mem>>
        %dma_start3A = arith.constant 0 : i32
        %dma_start3A_46 = arith.constant 0 : i32
        %dma_start3A_47 = tpu.memref_slice %arg5[%arg0, %dma_start3A, %dma_start3A_46] : memref<2x10000x128xf32, #tpu.memory_space<hbm>> -> memref<1x10000x128xf32, #tpu.memory_space<hbm>>
        %dma_start3A_48 = tpu.memref_squeeze %dma_start3A_47 : memref<1x10000x128xf32, #tpu.memory_space<hbm>> -> memref<10000x128xf32, #tpu.memory_space<hbm>>
        %dma_start3A_49 = arith.constant 0 : i32
        %dma_start3A_50 = tpu.memref_slice %dma_start3A_48[%mul3A_0, %dma_start3A_49] : memref<10000x128xf32, #tpu.memory_space<hbm>> -> memref<1000x128xf32, #tpu.memory_space<hbm>>
        %dma_start3A_51 = arith.constant 0 : i32
        %dma_start3A_52 = tpu.memref_slice %arg9[%mul3A_0, %dma_start3A_51] : memref<10000x128xf32, #tpu.memory_space<vmem_shared>> -> memref<1000x128xf32, #tpu.memory_space<vmem_shared>>
        tpu.enqueue_dma source(%dma_start3A_52 : memref<1000x128xf32, #tpu.memory_space<vmem_shared>>) target(%dma_start3A_50 : memref<1000x128xf32, #tpu.memory_space<hbm>>) target_semaphore(%run_scoped3A : memref<!tpu.dma_semaphore, #tpu.memory_space<semaphore_mem>>)
        %dma_wait3A = arith.constant 0 : i32
        %dma_wait3A_53 = arith.constant 0 : i32
        %dma_wait3A_54 = tpu.memref_slice %arg5[%arg0, %dma_wait3A, %dma_wait3A_53] : memref<2x10000x128xf32, #tpu.memory_space<hbm>> -> memref<1x10000x128xf32, #tpu.memory_space<hbm>>
        %dma_wait3A_55 = tpu.memref_squeeze %dma_wait3A_54 : memref<1x10000x128xf32, #tpu.memory_space<hbm>> -> memref<10000x128xf32, #tpu.memory_space<hbm>>
        %dma_wait3A_56 = arith.constant 0 : i32
        %dma_wait3A_57 = tpu.memref_slice %dma_wait3A_55[%mul3A_0, %dma_wait3A_56] : memref<10000x128xf32, #tpu.memory_space<hbm>> -> memref<1000x128xf32, #tpu.memory_space<hbm>>
        %dma_wait3A_58 = arith.constant 0 : i32
        %dma_wait3A_59 = tpu.memref_slice %arg9[%mul3A_0, %dma_wait3A_58] : memref<10000x128xf32, #tpu.memory_space<vmem_shared>> -> memref<1000x128xf32, #tpu.memory_space<vmem_shared>>
        tpu.wait_dma2 semaphore(%run_scoped3A : memref<!tpu.dma_semaphore, #tpu.memory_space<semaphore_mem>>) src(%dma_wait3A_59 : memref<1000x128xf32, #tpu.memory_space<vmem_shared>>) dst(%dma_wait3A_57 : memref<1000x128xf32, #tpu.memory_space<hbm>>)
        tpu.yield
      }) : () -> ()
    } else {
    }
    return
  }
}

#map = affine_map<(d0, d1) -> (0, 0)>
#map1 = affine_map<(d0, d1) -> (0)>
#map2 = affine_map<(d0, d1) -> (0, 0, 0)>
module attributes {stable_mosaic.version = 14 : i64} {
  func.func @_sc_scatter(%arg0: i32, %arg1: i32, %arg2: memref<1000x128xf32, #tpu.memory_space<hbm>>, %arg3: memref<160000xi32, #tpu.memory_space<hbm>>, %arg4: memref<160000x128xf32, #tpu.memory_space<hbm>>, %arg5: memref<2x10000x128xf32, #tpu.memory_space<hbm>>, %arg6: memref<128xi32, #tpu.memory_space<vmem>>, %arg7: memref<128xi32, #tpu.memory_space<vmem>>, %arg8: memref<256x128xf32, #tpu.memory_space<vmem>>, %arg9: memref<10000x128xf32, #tpu.memory_space<vmem_shared>>, %arg10: memref<!tpu.dma_semaphore, #tpu.memory_space<semaphore_mem>>) attributes {dimension_semantics = [#tpu.dimension_semantics<core_parallel>, #tpu.dimension_semantics<subcore_parallel>], iteration_bounds = array<i64: 2, 16>, scalar_prefetch = 0 : i64, scratch_operands = 5 : i64, tpu.core_type = #tpu.core_type<sc_vector_subcore>, window_params = [{transform_indices = #map}, {transform_indices = #map1}, {transform_indices = #map}, {transform_indices = #map2}]} {
    %mul3A = arith.constant 1000 : i32
    %mul3A_0 = arith.muli %arg1, %mul3A : i32
    %lt3A = arith.constant 10 : i32
    %lt3A_1 = arith.cmpi slt, %arg1, %lt3A : i32
    %convert_element_type3A = arith.extui %lt3A_1 : i1 to i32
    %cond3A = arith.constant 0 : i32
    %cond3A_2 = arith.cmpi ne, %convert_element_type3A, %cond3A : i32
    scf.if %cond3A_2 {
      "tpu.region"() ({
        %run_scoped3A = tpu.sem_alloc : memref<!tpu.dma_semaphore, #tpu.memory_space<semaphore_mem>>
        %dma_start3A = arith.constant 0 : i32
        %dma_start3A_46 = tpu.memref_slice %arg9[%mul3A_0, %dma_start3A] : memref<10000x128xf32, #tpu.memory_space<vmem_shared>> -> memref<1000x128xf32, #tpu.memory_space<vmem_shared>>
        tpu.enqueue_dma source(%arg2 : memref<1000x128xf32, #tpu.memory_space<hbm>>) target(%dma_start3A_46 : memref<1000x128xf32, #tpu.memory_space<vmem_shared>>) target_semaphore(%run_scoped3A : memref<!tpu.dma_semaphore, #tpu.memory_space<semaphore_mem>>)
        %dma_wait3A = arith.constant 0 : i32
        %dma_wait3A_47 = tpu.memref_slice %arg9[%mul3A_0, %dma_wait3A] : memref<10000x128xf32, #tpu.memory_space<vmem_shared>> -> memref<1000x128xf32, #tpu.memory_space<vmem_shared>>
        tpu.wait_dma2 semaphore(%run_scoped3A : memref<!tpu.dma_semaphore, #tpu.memory_space<semaphore_mem>>) src(%arg2 : memref<1000x128xf32, #tpu.memory_space<hbm>>) dst(%dma_wait3A_47 : memref<1000x128xf32, #tpu.memory_space<vmem_shared>>)
        tpu.yield
      }) : () -> ()
    } else {
    }
    %barrier3A = arith.constant 0 : index
    tpu.barrier barrier_id(%barrier3A)
    %mul3A_3 = arith.constant 313 : i32
    %mul3A_4 = arith.muli %arg0, %mul3A_3 : i32
    %eq3A = arith.constant 0 : i32
    %eq3A_5 = arith.cmpi eq, %arg0, %eq3A : i32
    %jit3A = arith.constant 313 : i32
    %jit3A_6 = arith.constant 312 : i32
    %select_n3A = arith.select %eq3A_5, %jit3A, %jit3A_6 : i32
    %sub3A = arith.subi %select_n3A, %arg1 : i32
    %add3A = arith.constant 16 : i32
    %add3A_7 = arith.addi %sub3A, %add3A : i32
    %sub3A_8 = arith.constant 1 : i32
    %sub3A_9 = arith.subi %add3A_7, %sub3A_8 : i32
    %jit3A_10 = arith.constant 16 : i32
    %div3A = arith.divsi %sub3A_9, %jit3A_10 : i32
    %sign3A = arith.constant 0 : i32
    %sign3A_11 = arith.cmpi sgt, %sub3A_9, %sign3A : i32
    %sign3A_12 = arith.extui %sign3A_11 : i1 to i32
    %sign3A_13 = arith.constant 0 : i32
    %sign3A_14 = arith.cmpi slt, %sub3A_9, %sign3A_13 : i32
    %sign3A_15 = arith.extui %sign3A_14 : i1 to i32
    %sign3A_16 = arith.subi %sign3A_12, %sign3A_15 : i32
    %sign3A_17 = arith.constant 0 : i32
    %sign3A_18 = arith.cmpi sgt, %jit3A_10, %sign3A_17 : i32
    %sign3A_19 = arith.extui %sign3A_18 : i1 to i32
    %sign3A_20 = arith.constant 0 : i32
    %sign3A_21 = arith.cmpi slt, %jit3A_10, %sign3A_20 : i32
    %sign3A_22 = arith.extui %sign3A_21 : i1 to i32
    %sign3A_23 = arith.subi %sign3A_19, %sign3A_22 : i32
    %ne3A = arith.cmpi ne, %sign3A_16, %sign3A_23 : i32
    %rem3A = arith.remsi %sub3A_9, %jit3A_10 : i32
    %ne3A_24 = arith.constant 0 : i32
    %ne3A_25 = arith.cmpi ne, %rem3A, %ne3A_24 : i32
    %and3A = arith.andi %ne3A, %ne3A_25 : i1
    %sub3A_26 = arith.constant 1 : i32
    %sub3A_27 = arith.subi %div3A, %sub3A_26 : i32
    %select_n3A_28 = arith.select %and3A, %sub3A_27, %div3A : i32
    %while3A = arith.constant 0 : i32
    %while3A_29 = arith.constant 0 : i32
    %while3A_30 = arith.subi %select_n3A_28, %while3A : i32
    %while3A_31 = arith.addi %while3A, %while3A_30 : i32
    %while3A_32 = arith.constant 1 : i32
    %while3A_33 = arith.divsi %while3A_30, %while3A_32 : i32
    %while3A_34 = arith.muli %while3A_33, %while3A_32 : i32
    %while3A_35 = arith.addi %while3A, %while3A_34 : i32
    %while3A_36 = arith.constant 1 : i32
    %while3A_37 = scf.for %while3A_46 = %while3A to %while3A_35 step %while3A_36 iter_args(%while3A_47 = %while3A_29) -> (i32)  : i32 {
      %add3A_48 = arith.addi %mul3A_4, %arg1 : i32
      %mul3A_49 = arith.constant 16 : i32
      %mul3A_50 = arith.muli %while3A_46, %mul3A_49 : i32
      %add3A_51 = arith.addi %add3A_48, %mul3A_50 : i32
      %mul3A_52 = arith.constant 256 : i32
      %mul3A_53 = arith.muli %add3A_51, %mul3A_52 : i32
      "tpu.region"() ({
        %run_scoped3A = tpu.sem_alloc : memref<!tpu.dma_semaphore, #tpu.memory_space<semaphore_mem>>
        %dma_start3A_79 = tpu.memref_slice %arg3[%mul3A_53] : memref<160000xi32, #tpu.memory_space<hbm>> -> memref<128xi32, #tpu.memory_space<hbm>>
        %dma_start3A_80 = tpu.memref_slice %arg3[%mul3A_53] : memref<160000xi32, #tpu.memory_space<hbm>> -> memref<128xi32, #tpu.memory_space<hbm>>
        tpu.enqueue_dma source(%dma_start3A_80 : memref<128xi32, #tpu.memory_space<hbm>>) target(%arg6 : memref<128xi32, #tpu.memory_space<vmem>>) target_semaphore(%run_scoped3A : memref<!tpu.dma_semaphore, #tpu.memory_space<semaphore_mem>>)
        %dma_wait3A_81 = tpu.memref_slice %arg3[%mul3A_53] : memref<160000xi32, #tpu.memory_space<hbm>> -> memref<128xi32, #tpu.memory_space<hbm>>
        %dma_wait3A_82 = tpu.memref_slice %arg3[%mul3A_53] : memref<160000xi32, #tpu.memory_space<hbm>> -> memref<128xi32, #tpu.memory_space<hbm>>
        tpu.wait_dma2 semaphore(%run_scoped3A : memref<!tpu.dma_semaphore, #tpu.memory_space<semaphore_mem>>) src(%dma_wait3A_82 : memref<128xi32, #tpu.memory_space<hbm>>) dst(%arg6 : memref<128xi32, #tpu.memory_space<vmem>>)
        tpu.yield
      }) : () -> ()
      %add3A_54 = arith.constant 128 : i32
      %add3A_55 = arith.addi %mul3A_53, %add3A_54 : i32
      "tpu.region"() ({
        %run_scoped3A = tpu.sem_alloc : memref<!tpu.dma_semaphore, #tpu.memory_space<semaphore_mem>>
        %dma_start3A_79 = tpu.memref_slice %arg3[%add3A_55] : memref<160000xi32, #tpu.memory_space<hbm>> -> memref<128xi32, #tpu.memory_space<hbm>>
        %dma_start3A_80 = tpu.memref_slice %arg3[%add3A_55] : memref<160000xi32, #tpu.memory_space<hbm>> -> memref<128xi32, #tpu.memory_space<hbm>>
        tpu.enqueue_dma source(%dma_start3A_80 : memref<128xi32, #tpu.memory_space<hbm>>) target(%arg7 : memref<128xi32, #tpu.memory_space<vmem>>) target_semaphore(%run_scoped3A : memref<!tpu.dma_semaphore, #tpu.memory_space<semaphore_mem>>)
        %dma_wait3A_81 = tpu.memref_slice %arg3[%add3A_55] : memref<160000xi32, #tpu.memory_space<hbm>> -> memref<128xi32, #tpu.memory_space<hbm>>
        %dma_wait3A_82 = tpu.memref_slice %arg3[%add3A_55] : memref<160000xi32, #tpu.memory_space<hbm>> -> memref<128xi32, #tpu.memory_space<hbm>>
        tpu.wait_dma2 semaphore(%run_scoped3A : memref<!tpu.dma_semaphore, #tpu.memory_space<semaphore_mem>>) src(%dma_wait3A_82 : memref<128xi32, #tpu.memory_space<hbm>>) dst(%arg7 : memref<128xi32, #tpu.memory_space<vmem>>)
        tpu.yield
      }) : () -> ()
      "tpu.region"() ({
        %run_scoped3A = tpu.sem_alloc : memref<!tpu.dma_semaphore, #tpu.memory_space<semaphore_mem>>
        %dma_start3A_79 = arith.constant 0 : i32
        %dma_start3A_80 = tpu.memref_slice %arg4[%mul3A_53, %dma_start3A_79] : memref<160000x128xf32, #tpu.memory_space<hbm>> -> memref<256x128xf32, #tpu.memory_space<hbm>>
        %dma_start3A_81 = arith.constant 0 : i32
        %dma_start3A_82 = tpu.memref_slice %arg4[%mul3A_53, %dma_start3A_81] : memref<160000x128xf32, #tpu.memory_space<hbm>> -> memref<256x128xf32, #tpu.memory_space<hbm>>
        tpu.enqueue_dma source(%dma_start3A_82 : memref<256x128xf32, #tpu.memory_space<hbm>>) target(%arg8 : memref<256x128xf32, #tpu.memory_space<vmem>>) target_semaphore(%run_scoped3A : memref<!tpu.dma_semaphore, #tpu.memory_space<semaphore_mem>>)
        %dma_wait3A_83 = arith.constant 0 : i32
        %dma_wait3A_84 = tpu.memref_slice %arg4[%mul3A_53, %dma_wait3A_83] : memref<160000x128xf32, #tpu.memory_space<hbm>> -> memref<256x128xf32, #tpu.memory_space<hbm>>
        %dma_wait3A_85 = arith.constant 0 : i32
        %dma_wait3A_86 = tpu.memref_slice %arg4[%mul3A_53, %dma_wait3A_85] : memref<160000x128xf32, #tpu.memory_space<hbm>> -> memref<256x128xf32, #tpu.memory_space<hbm>>
        tpu.wait_dma2 semaphore(%run_scoped3A : memref<!tpu.dma_semaphore, #tpu.memory_space<semaphore_mem>>) src(%dma_wait3A_86 : memref<256x128xf32, #tpu.memory_space<hbm>>) dst(%arg8 : memref<256x128xf32, #tpu.memory_space<vmem>>)
        tpu.yield
      }) : () -> ()
      %dma_start3A = arith.constant 0 : i32
      %dma_start3A_56 = arith.constant 0 : i32
      %dma_start3A_57 = tpu.memref_slice %arg8[%dma_start3A, %dma_start3A_56] : memref<256x128xf32, #tpu.memory_space<vmem>> -> memref<128x128xf32, #tpu.memory_space<vmem>>
      %dma_start3A_58 = arith.constant 0 : i32
      %dma_start3A_59 = arith.constant 0 : i32
      %dma_start3A_60 = tpu.memref_slice %arg9[%dma_start3A_58, %dma_start3A_59] : memref<10000x128xf32, #tpu.memory_space<vmem_shared>> -> memref<10000x128xf32, #tpu.memory_space<vmem_shared>>
      tpu.enqueue_indirect_dma source(%dma_start3A_57 : memref<128x128xf32, #tpu.memory_space<vmem>>) target(%dma_start3A_60 : memref<10000x128xf32, #tpu.memory_space<vmem_shared>>) offsets(%arg6 : memref<128xi32, #tpu.memory_space<vmem>>) semaphore(%arg10 : memref<!tpu.dma_semaphore, #tpu.memory_space<semaphore_mem>>) {add = true}
      %dma_start3A_61 = arith.constant 128 : i32
      %dma_start3A_62 = arith.constant 0 : i32
      %dma_start3A_63 = tpu.memref_slice %arg8[%dma_start3A_61, %dma_start3A_62] : memref<256x128xf32, #tpu.memory_space<vmem>> -> memref<128x128xf32, #tpu.memory_space<vmem>>
      %dma_start3A_64 = arith.constant 0 : i32
      %dma_start3A_65 = arith.constant 0 : i32
      %dma_start3A_66 = tpu.memref_slice %arg9[%dma_start3A_64, %dma_start3A_65] : memref<10000x128xf32, #tpu.memory_space<vmem_shared>> -> memref<10000x128xf32, #tpu.memory_space<vmem_shared>>
      tpu.enqueue_indirect_dma source(%dma_start3A_63 : memref<128x128xf32, #tpu.memory_space<vmem>>) target(%dma_start3A_66 : memref<10000x128xf32, #tpu.memory_space<vmem_shared>>) offsets(%arg7 : memref<128xi32, #tpu.memory_space<vmem>>) semaphore(%arg10 : memref<!tpu.dma_semaphore, #tpu.memory_space<semaphore_mem>>) {add = true}
      %dma_wait3A = arith.constant 0 : i32
      %dma_wait3A_67 = arith.constant 0 : i32
      %dma_wait3A_68 = tpu.memref_slice %arg8[%dma_wait3A, %dma_wait3A_67] : memref<256x128xf32, #tpu.memory_space<vmem>> -> memref<128x128xf32, #tpu.memory_space<vmem>>
      %dma_wait3A_69 = arith.constant 0 : i32
      %dma_wait3A_70 = arith.constant 0 : i32
      %dma_wait3A_71 = tpu.memref_slice %arg9[%dma_wait3A_69, %dma_wait3A_70] : memref<10000x128xf32, #tpu.memory_space<vmem_shared>> -> memref<10000x128xf32, #tpu.memory_space<vmem_shared>>
      tpu.wait_indirect_dma semaphore(%arg10 : memref<!tpu.dma_semaphore, #tpu.memory_space<semaphore_mem>>) src(%dma_wait3A_68 : memref<128x128xf32, #tpu.memory_space<vmem>>) dst(%dma_wait3A_71 : memref<10000x128xf32, #tpu.memory_space<vmem_shared>>)
      %dma_wait3A_72 = arith.constant 128 : i32
      %dma_wait3A_73 = arith.constant 0 : i32
      %dma_wait3A_74 = tpu.memref_slice %arg8[%dma_wait3A_72, %dma_wait3A_73] : memref<256x128xf32, #tpu.memory_space<vmem>> -> memref<128x128xf32, #tpu.memory_space<vmem>>
      %dma_wait3A_75 = arith.constant 0 : i32
      %dma_wait3A_76 = arith.constant 0 : i32
      %dma_wait3A_77 = tpu.memref_slice %arg9[%dma_wait3A_75, %dma_wait3A_76] : memref<10000x128xf32, #tpu.memory_space<vmem_shared>> -> memref<10000x128xf32, #tpu.memory_space<vmem_shared>>
      tpu.wait_indirect_dma semaphore(%arg10 : memref<!tpu.dma_semaphore, #tpu.memory_space<semaphore_mem>>) src(%dma_wait3A_74 : memref<128x128xf32, #tpu.memory_space<vmem>>) dst(%dma_wait3A_77 : memref<10000x128xf32, #tpu.memory_space<vmem_shared>>)
      %while3A_78 = arith.constant 0 : i32
      scf.yield %while3A_78 : i32
    }
    %while3A_38 = arith.constant 1 : i32
    %while3A_39 = scf.for %while3A_46 = %while3A_35 to %while3A_31 step %while3A_38 iter_args(%while3A_47 = %while3A_37) -> (i32)  : i32 {
      %add3A_48 = arith.addi %mul3A_4, %arg1 : i32
      %mul3A_49 = arith.constant 16 : i32
      %mul3A_50 = arith.muli %while3A_46, %mul3A_49 : i32
      %add3A_51 = arith.addi %add3A_48, %mul3A_50 : i32
      %mul3A_52 = arith.constant 256 : i32
      %mul3A_53 = arith.muli %add3A_51, %mul3A_52 : i32
      "tpu.region"() ({
        %run_scoped3A = tpu.sem_alloc : memref<!tpu.dma_semaphore, #tpu.memory_space<semaphore_mem>>
        %dma_start3A_79 = tpu.memref_slice %arg3[%mul3A_53] : memref<160000xi32, #tpu.memory_space<hbm>> -> memref<128xi32, #tpu.memory_space<hbm>>
        %dma_start3A_80 = tpu.memref_slice %arg3[%mul3A_53] : memref<160000xi32, #tpu.memory_space<hbm>> -> memref<128xi32, #tpu.memory_space<hbm>>
        tpu.enqueue_dma source(%dma_start3A_80 : memref<128xi32, #tpu.memory_space<hbm>>) target(%arg6 : memref<128xi32, #tpu.memory_space<vmem>>) target_semaphore(%run_scoped3A : memref<!tpu.dma_semaphore, #tpu.memory_space<semaphore_mem>>)
        %dma_wait3A_81 = tpu.memref_slice %arg3[%mul3A_53] : memref<160000xi32, #tpu.memory_space<hbm>> -> memref<128xi32, #tpu.memory_space<hbm>>
        %dma_wait3A_82 = tpu.memref_slice %arg3[%mul3A_53] : memref<160000xi32, #tpu.memory_space<hbm>> -> memref<128xi32, #tpu.memory_space<hbm>>
        tpu.wait_dma2 semaphore(%run_scoped3A : memref<!tpu.dma_semaphore, #tpu.memory_space<semaphore_mem>>) src(%dma_wait3A_82 : memref<128xi32, #tpu.memory_space<hbm>>) dst(%arg6 : memref<128xi32, #tpu.memory_space<vmem>>)
        tpu.yield
      }) : () -> ()
      %add3A_54 = arith.constant 128 : i32
      %add3A_55 = arith.addi %mul3A_53, %add3A_54 : i32
      "tpu.region"() ({
        %run_scoped3A = tpu.sem_alloc : memref<!tpu.dma_semaphore, #tpu.memory_space<semaphore_mem>>
        %dma_start3A_79 = tpu.memref_slice %arg3[%add3A_55] : memref<160000xi32, #tpu.memory_space<hbm>> -> memref<128xi32, #tpu.memory_space<hbm>>
        %dma_start3A_80 = tpu.memref_slice %arg3[%add3A_55] : memref<160000xi32, #tpu.memory_space<hbm>> -> memref<128xi32, #tpu.memory_space<hbm>>
        tpu.enqueue_dma source(%dma_start3A_80 : memref<128xi32, #tpu.memory_space<hbm>>) target(%arg7 : memref<128xi32, #tpu.memory_space<vmem>>) target_semaphore(%run_scoped3A : memref<!tpu.dma_semaphore, #tpu.memory_space<semaphore_mem>>)
        %dma_wait3A_81 = tpu.memref_slice %arg3[%add3A_55] : memref<160000xi32, #tpu.memory_space<hbm>> -> memref<128xi32, #tpu.memory_space<hbm>>
        %dma_wait3A_82 = tpu.memref_slice %arg3[%add3A_55] : memref<160000xi32, #tpu.memory_space<hbm>> -> memref<128xi32, #tpu.memory_space<hbm>>
        tpu.wait_dma2 semaphore(%run_scoped3A : memref<!tpu.dma_semaphore, #tpu.memory_space<semaphore_mem>>) src(%dma_wait3A_82 : memref<128xi32, #tpu.memory_space<hbm>>) dst(%arg7 : memref<128xi32, #tpu.memory_space<vmem>>)
        tpu.yield
      }) : () -> ()
      "tpu.region"() ({
        %run_scoped3A = tpu.sem_alloc : memref<!tpu.dma_semaphore, #tpu.memory_space<semaphore_mem>>
        %dma_start3A_79 = arith.constant 0 : i32
        %dma_start3A_80 = tpu.memref_slice %arg4[%mul3A_53, %dma_start3A_79] : memref<160000x128xf32, #tpu.memory_space<hbm>> -> memref<256x128xf32, #tpu.memory_space<hbm>>
        %dma_start3A_81 = arith.constant 0 : i32
        %dma_start3A_82 = tpu.memref_slice %arg4[%mul3A_53, %dma_start3A_81] : memref<160000x128xf32, #tpu.memory_space<hbm>> -> memref<256x128xf32, #tpu.memory_space<hbm>>
        tpu.enqueue_dma source(%dma_start3A_82 : memref<256x128xf32, #tpu.memory_space<hbm>>) target(%arg8 : memref<256x128xf32, #tpu.memory_space<vmem>>) target_semaphore(%run_scoped3A : memref<!tpu.dma_semaphore, #tpu.memory_space<semaphore_mem>>)
        %dma_wait3A_83 = arith.constant 0 : i32
        %dma_wait3A_84 = tpu.memref_slice %arg4[%mul3A_53, %dma_wait3A_83] : memref<160000x128xf32, #tpu.memory_space<hbm>> -> memref<256x128xf32, #tpu.memory_space<hbm>>
        %dma_wait3A_85 = arith.constant 0 : i32
        %dma_wait3A_86 = tpu.memref_slice %arg4[%mul3A_53, %dma_wait3A_85] : memref<160000x128xf32, #tpu.memory_space<hbm>> -> memref<256x128xf32, #tpu.memory_space<hbm>>
        tpu.wait_dma2 semaphore(%run_scoped3A : memref<!tpu.dma_semaphore, #tpu.memory_space<semaphore_mem>>) src(%dma_wait3A_86 : memref<256x128xf32, #tpu.memory_space<hbm>>) dst(%arg8 : memref<256x128xf32, #tpu.memory_space<vmem>>)
        tpu.yield
      }) : () -> ()
      %dma_start3A = arith.constant 0 : i32
      %dma_start3A_56 = arith.constant 0 : i32
      %dma_start3A_57 = tpu.memref_slice %arg8[%dma_start3A, %dma_start3A_56] : memref<256x128xf32, #tpu.memory_space<vmem>> -> memref<128x128xf32, #tpu.memory_space<vmem>>
      %dma_start3A_58 = arith.constant 0 : i32
      %dma_start3A_59 = arith.constant 0 : i32
      %dma_start3A_60 = tpu.memref_slice %arg9[%dma_start3A_58, %dma_start3A_59] : memref<10000x128xf32, #tpu.memory_space<vmem_shared>> -> memref<10000x128xf32, #tpu.memory_space<vmem_shared>>
      tpu.enqueue_indirect_dma source(%dma_start3A_57 : memref<128x128xf32, #tpu.memory_space<vmem>>) target(%dma_start3A_60 : memref<10000x128xf32, #tpu.memory_space<vmem_shared>>) offsets(%arg6 : memref<128xi32, #tpu.memory_space<vmem>>) semaphore(%arg10 : memref<!tpu.dma_semaphore, #tpu.memory_space<semaphore_mem>>) {add = true}
      %dma_start3A_61 = arith.constant 128 : i32
      %dma_start3A_62 = arith.constant 0 : i32
      %dma_start3A_63 = tpu.memref_slice %arg8[%dma_start3A_61, %dma_start3A_62] : memref<256x128xf32, #tpu.memory_space<vmem>> -> memref<128x128xf32, #tpu.memory_space<vmem>>
      %dma_start3A_64 = arith.constant 0 : i32
      %dma_start3A_65 = arith.constant 0 : i32
      %dma_start3A_66 = tpu.memref_slice %arg9[%dma_start3A_64, %dma_start3A_65] : memref<10000x128xf32, #tpu.memory_space<vmem_shared>> -> memref<10000x128xf32, #tpu.memory_space<vmem_shared>>
      tpu.enqueue_indirect_dma source(%dma_start3A_63 : memref<128x128xf32, #tpu.memory_space<vmem>>) target(%dma_start3A_66 : memref<10000x128xf32, #tpu.memory_space<vmem_shared>>) offsets(%arg7 : memref<128xi32, #tpu.memory_space<vmem>>) semaphore(%arg10 : memref<!tpu.dma_semaphore, #tpu.memory_space<semaphore_mem>>) {add = true}
      %dma_wait3A = arith.constant 0 : i32
      %dma_wait3A_67 = arith.constant 0 : i32
      %dma_wait3A_68 = tpu.memref_slice %arg8[%dma_wait3A, %dma_wait3A_67] : memref<256x128xf32, #tpu.memory_space<vmem>> -> memref<128x128xf32, #tpu.memory_space<vmem>>
      %dma_wait3A_69 = arith.constant 0 : i32
      %dma_wait3A_70 = arith.constant 0 : i32
      %dma_wait3A_71 = tpu.memref_slice %arg9[%dma_wait3A_69, %dma_wait3A_70] : memref<10000x128xf32, #tpu.memory_space<vmem_shared>> -> memref<10000x128xf32, #tpu.memory_space<vmem_shared>>
      tpu.wait_indirect_dma semaphore(%arg10 : memref<!tpu.dma_semaphore, #tpu.memory_space<semaphore_mem>>) src(%dma_wait3A_68 : memref<128x128xf32, #tpu.memory_space<vmem>>) dst(%dma_wait3A_71 : memref<10000x128xf32, #tpu.memory_space<vmem_shared>>)
      %dma_wait3A_72 = arith.constant 128 : i32
      %dma_wait3A_73 = arith.constant 0 : i32
      %dma_wait3A_74 = tpu.memref_slice %arg8[%dma_wait3A_72, %dma_wait3A_73] : memref<256x128xf32, #tpu.memory_space<vmem>> -> memref<128x128xf32, #tpu.memory_space<vmem>>
      %dma_wait3A_75 = arith.constant 0 : i32
      %dma_wait3A_76 = arith.constant 0 : i32
      %dma_wait3A_77 = tpu.memref_slice %arg9[%dma_wait3A_75, %dma_wait3A_76] : memref<10000x128xf32, #tpu.memory_space<vmem_shared>> -> memref<10000x128xf32, #tpu.memory_space<vmem_shared>>
      tpu.wait_indirect_dma semaphore(%arg10 : memref<!tpu.dma_semaphore, #tpu.memory_space<semaphore_mem>>) src(%dma_wait3A_74 : memref<128x128xf32, #tpu.memory_space<vmem>>) dst(%dma_wait3A_77 : memref<10000x128xf32, #tpu.memory_space<vmem_shared>>)
      %while3A_78 = arith.constant 0 : i32
      scf.yield %while3A_78 : i32
    }
    %barrier3A_40 = arith.constant 0 : index
    tpu.barrier barrier_id(%barrier3A_40)
    %lt3A_41 = arith.constant 10 : i32
    %lt3A_42 = arith.cmpi slt, %arg1, %lt3A_41 : i32
    %convert_element_type3A_43 = arith.extui %lt3A_42 : i1 to i32
    %cond3A_44 = arith.constant 0 : i32
    %cond3A_45 = arith.cmpi ne, %convert_element_type3A_43, %cond3A_44 : i32
    scf.if %cond3A_45 {
      "tpu.region"() ({
        %run_scoped3A = tpu.sem_alloc : memref<!tpu.dma_semaphore, #tpu.memory_space<semaphore_mem>>
        %dma_start3A = arith.constant 0 : i32
        %dma_start3A_46 = arith.constant 0 : i32
        %dma_start3A_47 = tpu.memref_slice %arg5[%arg0, %dma_start3A, %dma_start3A_46] : memref<2x10000x128xf32, #tpu.memory_space<hbm>> -> memref<1x10000x128xf32, #tpu.memory_space<hbm>>
        %dma_start3A_48 = tpu.memref_squeeze %dma_start3A_47 : memref<1x10000x128xf32, #tpu.memory_space<hbm>> -> memref<10000x128xf32, #tpu.memory_space<hbm>>
        %dma_start3A_49 = arith.constant 0 : i32
        %dma_start3A_50 = tpu.memref_slice %dma_start3A_48[%mul3A_0, %dma_start3A_49] : memref<10000x128xf32, #tpu.memory_space<hbm>> -> memref<1000x128xf32, #tpu.memory_space<hbm>>
        %dma_start3A_51 = arith.constant 0 : i32
        %dma_start3A_52 = tpu.memref_slice %arg9[%mul3A_0, %dma_start3A_51] : memref<10000x128xf32, #tpu.memory_space<vmem_shared>> -> memref<1000x128xf32, #tpu.memory_space<vmem_shared>>
        tpu.enqueue_dma source(%dma_start3A_52 : memref<1000x128xf32, #tpu.memory_space<vmem_shared>>) target(%dma_start3A_50 : memref<1000x128xf32, #tpu.memory_space<hbm>>) target_semaphore(%run_scoped3A : memref<!tpu.dma_semaphore, #tpu.memory_space<semaphore_mem>>)
        %dma_wait3A = arith.constant 0 : i32
        %dma_wait3A_53 = arith.constant 0 : i32
        %dma_wait3A_54 = tpu.memref_slice %arg5[%arg0, %dma_wait3A, %dma_wait3A_53] : memref<2x10000x128xf32, #tpu.memory_space<hbm>> -> memref<1x10000x128xf32, #tpu.memory_space<hbm>>
        %dma_wait3A_55 = tpu.memref_squeeze %dma_wait3A_54 : memref<1x10000x128xf32, #tpu.memory_space<hbm>> -> memref<10000x128xf32, #tpu.memory_space<hbm>>
        %dma_wait3A_56 = arith.constant 0 : i32
        %dma_wait3A_57 = tpu.memref_slice %dma_wait3A_55[%mul3A_0, %dma_wait3A_56] : memref<10000x128xf32, #tpu.memory_space<hbm>> -> memref<1000x128xf32, #tpu.memory_space<hbm>>
        %dma_wait3A_58 = arith.constant 0 : i32
        %dma_wait3A_59 = tpu.memref_slice %arg9[%mul3A_0, %dma_wait3A_58] : memref<10000x128xf32, #tpu.memory_space<vmem_shared>> -> memref<1000x128xf32, #tpu.memory_space<vmem_shared>>
        tpu.wait_dma2 semaphore(%run_scoped3A : memref<!tpu.dma_semaphore, #tpu.memory_space<semaphore_mem>>) src(%dma_wait3A_59 : memref<1000x128xf32, #tpu.memory_space<vmem_shared>>) dst(%dma_wait3A_57 : memref<1000x128xf32, #tpu.memory_space<hbm>>)
        tpu.yield
      }) : () -> ()
    } else {
    }
    return
  }
}

module attributes {stable_mosaic.version = 14 : i64} {
  func.func @_prep_body(%arg0: memref<10000x128xf32, #tpu.memory_space<vmem>>, %arg1: memref<128x128xf32, #tpu.memory_space<vmem>>, %arg2: memref<1x128xf32, #tpu.memory_space<vmem>>, %arg3: memref<10000x128xf32, #tpu.memory_space<vmem>>) attributes {dimension_semantics = [], scalar_prefetch = 0 : i64, scratch_operands = 0 : i64, tpu.core_type = #tpu.core_type<tc>} {
    %get3A = arith.constant 0 : index
    %get3A_0 = arith.constant 0 : index
    %get3A_1 = vector.load %arg0[%get3A, %get3A_0] : memref<10000x128xf32, #tpu.memory_space<vmem>>, vector<10000x128xf32>
    %get3A_2 = arith.constant 0 : index
    %get3A_3 = arith.constant 0 : index
    %get3A_4 = vector.load %arg1[%get3A_2, %get3A_3] : memref<128x128xf32, #tpu.memory_space<vmem>>, vector<128x128xf32>
    %dot_general3A = arith.constant dense<0.000000e+00> : vector<10000x128xf32>
    %dot_general3A_5 = tpu.matmul %get3A_1, %get3A_4, %dot_general3A {dimension_numbers = #tpu.dot_dimension_numbers<[1], [0], [0], [1], [0, 0, 1, 1], [], []>, transpose_lhs_hint = false} : vector<10000x128xf32>, vector<128x128xf32>, vector<10000x128xf32> -> vector<10000x128xf32>
    %get3A_6 = arith.constant 0 : index
    %get3A_7 = arith.constant 0 : index
    %get3A_8 = vector.load %arg2[%get3A_6, %get3A_7] : memref<1x128xf32, #tpu.memory_space<vmem>>, vector<1x128xf32>
    %add3A = vector.broadcast %get3A_8 : vector<1x128xf32> to vector<10000x128xf32>
    %add3A_9 = arith.addf %dot_general3A_5, %add3A : vector<10000x128xf32>
    %swap3A = arith.constant 0 : index
    %swap3A_10 = arith.constant 0 : index
    %swap3A_11 = vector.load %arg3[%swap3A, %swap3A_10] : memref<10000x128xf32, #tpu.memory_space<vmem>>, vector<10000x128xf32>
    tpu.vector_store %arg3[%swap3A, %swap3A_10], %add3A_9 {strides = array<i32>} : memref<10000x128xf32, #tpu.memory_space<vmem>>, vector<10000x128xf32>,
    return
  }
}

module attributes {stable_mosaic.version = 14 : i64} {
  func.func @_stats_body(%arg0: i32, %arg1: memref<8000x128xf32, #tpu.memory_space<vmem>>, %arg2: memref<8000x16xf32, #tpu.memory_space<vmem>>, %arg3: memref<16x128xf32, #tpu.memory_space<vmem>>, %arg4: memref<1x128xf32, #tpu.memory_space<vmem>>, %arg5: memref<1x128xf32, #tpu.memory_space<vmem>>, %arg6: memref<8x128xf32, #tpu.memory_space<vmem>>) attributes {dimension_semantics = [#tpu.dimension_semantics<arbitrary>], iteration_bounds = array<i64: 20>, scalar_prefetch = 0 : i64, scratch_operands = 1 : i64, tpu.core_type = #tpu.core_type<tc>, window_params = [{transform_indices = @transform_0, window_bounds = array<i64: 8000, 128>}, {transform_indices = @transform_1, window_bounds = array<i64: 8000, 16>}, {pipeline_mode = #tpu.pipeline_mode<synchronous>, transform_indices = @transform_2, window_bounds = array<i64: 16, 128>}, {pipeline_mode = #tpu.pipeline_mode<synchronous>, transform_indices = @transform_3, window_bounds = array<i64: 1, 128>}, {pipeline_mode = #tpu.pipeline_mode<synchronous>, transform_indices = @transform_4, window_bounds = array<i64: 1, 128>}]} {
    %get3A = arith.constant 0 : index
    %get3A_0 = arith.constant 0 : index
    %get3A_1 = vector.load %arg1[%get3A, %get3A_0] : memref<8000x128xf32, #tpu.memory_space<vmem>>, vector<8000x128xf32>
    %get3A_2 = arith.constant 0 : index
    %get3A_3 = arith.constant 0 : index
    %get3A_4 = vector.load %arg2[%get3A_2, %get3A_3] : memref<8000x16xf32, #tpu.memory_space<vmem>>, vector<8000x16xf32>
    %get3A_5 = arith.constant 0 : index
    %get3A_6 = arith.constant 0 : index
    %get3A_7 = vector.load %arg3[%get3A_5, %get3A_6] : memref<16x128xf32, #tpu.memory_space<vmem>>, vector<16x128xf32>
    %dot_general3A = arith.constant dense<0.000000e+00> : vector<8000x128xf32>
    %dot_general3A_8 = tpu.matmul %get3A_4, %get3A_7, %dot_general3A {dimension_numbers = #tpu.dot_dimension_numbers<[1], [0], [0], [1], [0, 0, 1, 1], [], []>, transpose_lhs_hint = false} : vector<8000x16xf32>, vector<16x128xf32>, vector<8000x128xf32> -> vector<8000x128xf32>
    %add3A = arith.addf %get3A_1, %dot_general3A_8 : vector<8000x128xf32>
    %reduce_sum3A = arith.constant dense<0.000000e+00> : vector<128xf32>
    %reduce_sum3A_9 = vector.multi_reduction <add>, %add3A, %reduce_sum3A [0] : vector<8000x128xf32> to vector<128xf32>
    %broadcast_in_dim3A = vector.shape_cast %reduce_sum3A_9 : vector<128xf32> to vector<1x128xf32>
    %mul3A = arith.mulf %add3A, %add3A : vector<8000x128xf32>
    %reduce_sum3A_10 = arith.constant dense<0.000000e+00> : vector<128xf32>
    %reduce_sum3A_11 = vector.multi_reduction <add>, %mul3A, %reduce_sum3A_10 [0] : vector<8000x128xf32> to vector<128xf32>
    %broadcast_in_dim3A_12 = vector.shape_cast %reduce_sum3A_11 : vector<128xf32> to vector<1x128xf32>
    %eq3A = arith.constant 0 : i32
    %eq3A_13 = arith.cmpi eq, %arg0, %eq3A : i32
    %convert_element_type3A = arith.extui %eq3A_13 : i1 to i32
    %cond3A = arith.constant 0 : i32
    %cond3A_14 = arith.cmpi ne, %convert_element_type3A, %cond3A : i32
    scf.if %cond3A_14 {
      %swap3A = arith.constant 0 : index
      %swap3A_24 = arith.constant 0 : index
      %swap3A_25 = vector.load %arg6[%swap3A, %swap3A_24] : memref<8x128xf32, #tpu.memory_space<vmem>>, vector<1x128xf32>
      tpu.vector_store %arg6[%swap3A, %swap3A_24], %broadcast_in_dim3A {strides = array<i32>} : memref<8x128xf32, #tpu.memory_space<vmem>>, vector<1x128xf32>,
      %swap3A_26 = arith.constant 1 : index
      %swap3A_27 = arith.constant 0 : index
      %swap3A_28 = vector.load %arg6[%swap3A_26, %swap3A_27] : memref<8x128xf32, #tpu.memory_space<vmem>>, vector<1x128xf32>
      tpu.vector_store %arg6[%swap3A_26, %swap3A_27], %broadcast_in_dim3A_12 {strides = array<i32>} : memref<8x128xf32, #tpu.memory_space<vmem>>, vector<1x128xf32>,
    } else {
    }
    %gt3A = arith.constant 0 : i32
    %gt3A_15 = arith.cmpi sgt, %arg0, %gt3A : i32
    %convert_element_type3A_16 = arith.extui %gt3A_15 : i1 to i32
    %cond3A_17 = arith.constant 0 : i32
    %cond3A_18 = arith.cmpi ne, %convert_element_type3A_16, %cond3A_17 : i32
    scf.if %cond3A_18 {
      %get3A_24 = arith.constant 0 : index
      %get3A_25 = arith.constant 0 : index
      %get3A_26 = vector.load %arg6[%get3A_24, %get3A_25] : memref<8x128xf32, #tpu.memory_space<vmem>>, vector<1x128xf32>
      %add3A_27 = arith.addf %get3A_26, %broadcast_in_dim3A : vector<1x128xf32>
      %swap3A = arith.constant 0 : index
      %swap3A_28 = arith.constant 0 : index
      %swap3A_29 = vector.load %arg6[%swap3A, %swap3A_28] : memref<8x128xf32, #tpu.memory_space<vmem>>, vector<1x128xf32>
      tpu.vector_store %arg6[%swap3A, %swap3A_28], %add3A_27 {strides = array<i32>} : memref<8x128xf32, #tpu.memory_space<vmem>>, vector<1x128xf32>,
      %get3A_30 = arith.constant 1 : index
      %get3A_31 = arith.constant 0 : index
      %get3A_32 = vector.load %arg6[%get3A_30, %get3A_31] : memref<8x128xf32, #tpu.memory_space<vmem>>, vector<1x128xf32>
      %add3A_33 = arith.addf %get3A_32, %broadcast_in_dim3A_12 : vector<1x128xf32>
      %swap3A_34 = arith.constant 1 : index
      %swap3A_35 = arith.constant 0 : index
      %swap3A_36 = vector.load %arg6[%swap3A_34, %swap3A_35] : memref<8x128xf32, #tpu.memory_space<vmem>>, vector<1x128xf32>
      tpu.vector_store %arg6[%swap3A_34, %swap3A_35], %add3A_33 {strides = array<i32>} : memref<8x128xf32, #tpu.memory_space<vmem>>, vector<1x128xf32>,
    } else {
    }
    %eq3A_19 = arith.constant 19 : i32
    %eq3A_20 = arith.cmpi eq, %arg0, %eq3A_19 : i32
    %convert_element_type3A_21 = arith.extui %eq3A_20 : i1 to i32
    %cond3A_22 = arith.constant 0 : i32
    %cond3A_23 = arith.cmpi ne, %convert_element_type3A_21, %cond3A_22 : i32
    scf.if %cond3A_23 {
      %get3A_24 = arith.constant 0 : index
      %get3A_25 = arith.constant 0 : index
      %get3A_26 = vector.load %arg6[%get3A_24, %get3A_25] : memref<8x128xf32, #tpu.memory_space<vmem>>, vector<1x128xf32>
      %swap3A = arith.constant 0 : index
      %swap3A_27 = arith.constant 0 : index
      %swap3A_28 = vector.load %arg4[%swap3A, %swap3A_27] : memref<1x128xf32, #tpu.memory_space<vmem>>, vector<1x128xf32>
      tpu.vector_store %arg4[%swap3A, %swap3A_27], %get3A_26 {strides = array<i32>} : memref<1x128xf32, #tpu.memory_space<vmem>>, vector<1x128xf32>,
      %get3A_29 = arith.constant 1 : index
      %get3A_30 = arith.constant 0 : index
      %get3A_31 = vector.load %arg6[%get3A_29, %get3A_30] : memref<8x128xf32, #tpu.memory_space<vmem>>, vector<1x128xf32>
      %swap3A_32 = arith.constant 0 : index
      %swap3A_33 = arith.constant 0 : index
      %swap3A_34 = vector.load %arg5[%swap3A_32, %swap3A_33] : memref<1x128xf32, #tpu.memory_space<vmem>>, vector<1x128xf32>
      tpu.vector_store %arg5[%swap3A_32, %swap3A_33], %get3A_31 {strides = array<i32>} : memref<1x128xf32, #tpu.memory_space<vmem>>, vector<1x128xf32>,
    } else {
    }
    return
  }
  func.func @transform_0(%arg0: i32) -> (i32, i32) {
    %c0_i32 = arith.constant 0 : i32
    %c0_i32_0 = arith.constant 0 : i32
    return %arg0, %c0_i32 : i32, i32
  }
  func.func @transform_1(%arg0: i32) -> (i32, i32) {
    %c0_i32 = arith.constant 0 : i32
    %c0_i32_0 = arith.constant 0 : i32
    return %arg0, %c0_i32 : i32, i32
  }
  func.func @transform_2(%arg0: i32) -> (i32, i32) {
    %c0_i32 = arith.constant 0 : i32
    %c0_i32_0 = arith.constant 0 : i32
    %c0_i32_1 = arith.constant 0 : i32
    return %c0_i32, %c0_i32_0 : i32, i32
  }
  func.func @transform_3(%arg0: i32) -> (i32, i32) {
    %c0_i32 = arith.constant 0 : i32
    %c0_i32_0 = arith.constant 0 : i32
    %c0_i32_1 = arith.constant 0 : i32
    return %c0_i32, %c0_i32_0 : i32, i32
  }
  func.func @transform_4(%arg0: i32) -> (i32, i32) {
    %c0_i32 = arith.constant 0 : i32
    %c0_i32_0 = arith.constant 0 : i32
    %c0_i32_1 = arith.constant 0 : i32
    return %c0_i32, %c0_i32_0 : i32, i32
  }
}

module attributes {stable_mosaic.version = 14 : i64} {
  func.func @_comb_body(%arg0: memref<2x128xf32, #tpu.memory_space<vmem>>, %arg1: memref<2x128xf32, #tpu.memory_space<vmem>>, %arg2: memref<1x128xf32, #tpu.memory_space<vmem>>, %arg3: memref<1x128xf32, #tpu.memory_space<vmem>>, %arg4: memref<1x128xf32, #tpu.memory_space<vmem>>, %arg5: memref<1x128xf32, #tpu.memory_space<vmem>>) attributes {dimension_semantics = [], scalar_prefetch = 0 : i64, scratch_operands = 0 : i64, tpu.core_type = #tpu.core_type<tc>} {
    %get3A = arith.constant 0 : index
    %get3A_0 = arith.constant 0 : index
    %get3A_1 = vector.load %arg0[%get3A, %get3A_0] : memref<2x128xf32, #tpu.memory_space<vmem>>, vector<2x128xf32>
    %reduce_sum3A = arith.constant dense<0.000000e+00> : vector<128xf32>
    %reduce_sum3A_2 = vector.multi_reduction <add>, %get3A_1, %reduce_sum3A [0] : vector<2x128xf32> to vector<128xf32>
    %broadcast_in_dim3A = vector.shape_cast %reduce_sum3A_2 : vector<128xf32> to vector<1x128xf32>
    %get3A_3 = arith.constant 0 : index
    %get3A_4 = arith.constant 0 : index
    %get3A_5 = vector.load %arg1[%get3A_3, %get3A_4] : memref<2x128xf32, #tpu.memory_space<vmem>>, vector<2x128xf32>
    %reduce_sum3A_6 = arith.constant dense<0.000000e+00> : vector<128xf32>
    %reduce_sum3A_7 = vector.multi_reduction <add>, %get3A_5, %reduce_sum3A_6 [0] : vector<2x128xf32> to vector<128xf32>
    %broadcast_in_dim3A_8 = vector.shape_cast %reduce_sum3A_7 : vector<128xf32> to vector<1x128xf32>
    %mul3A = arith.constant 3.125000e-06 : f32
    %mul3A_9 = vector.broadcast %mul3A : f32 to vector<1x128xf32>
    %mul3A_10 = arith.mulf %broadcast_in_dim3A, %mul3A_9 : vector<1x128xf32>
    %mul3A_11 = arith.constant 3.125000e-06 : f32
    %mul3A_12 = vector.broadcast %mul3A_11 : f32 to vector<1x128xf32>
    %mul3A_13 = arith.mulf %broadcast_in_dim3A_8, %mul3A_12 : vector<1x128xf32>
    %mul3A_14 = arith.mulf %mul3A_10, %mul3A_10 : vector<1x128xf32>
    %sub3A = arith.subf %mul3A_13, %mul3A_14 : vector<1x128xf32>
    %get3A_15 = arith.constant 0 : index
    %get3A_16 = arith.constant 0 : index
    %get3A_17 = vector.load %arg2[%get3A_15, %get3A_16] : memref<1x128xf32, #tpu.memory_space<vmem>>, vector<1x128xf32>
    %add3A = arith.constant 9.99999974E-6 : f32
    %add3A_18 = vector.broadcast %add3A : f32 to vector<1x128xf32>
    %add3A_19 = arith.addf %sub3A, %add3A_18 : vector<1x128xf32>
    %rsqrt3A = math.rsqrt %add3A_19 : vector<1x128xf32>
    %mul3A_20 = arith.mulf %get3A_17, %rsqrt3A : vector<1x128xf32>
    %swap3A = arith.constant 0 : index
    %swap3A_21 = arith.constant 0 : index
    %swap3A_22 = vector.load %arg4[%swap3A, %swap3A_21] : memref<1x128xf32, #tpu.memory_space<vmem>>, vector<1x128xf32>
    tpu.vector_store %arg4[%swap3A, %swap3A_21], %mul3A_20 {strides = array<i32>} : memref<1x128xf32, #tpu.memory_space<vmem>>, vector<1x128xf32>,
    %get3A_23 = arith.constant 0 : index
    %get3A_24 = arith.constant 0 : index
    %get3A_25 = vector.load %arg3[%get3A_23, %get3A_24] : memref<1x128xf32, #tpu.memory_space<vmem>>, vector<1x128xf32>
    %mul3A_26 = arith.mulf %mul3A_10, %mul3A_20 : vector<1x128xf32>
    %sub3A_27 = arith.subf %get3A_25, %mul3A_26 : vector<1x128xf32>
    %swap3A_28 = arith.constant 0 : index
    %swap3A_29 = arith.constant 0 : index
    %swap3A_30 = vector.load %arg5[%swap3A_28, %swap3A_29] : memref<1x128xf32, #tpu.memory_space<vmem>>, vector<1x128xf32>
    tpu.vector_store %arg5[%swap3A_28, %swap3A_29], %sub3A_27 {strides = array<i32>} : memref<1x128xf32, #tpu.memory_space<vmem>>, vector<1x128xf32>,
    return
  }
}

module attributes {stable_mosaic.version = 14 : i64} {
  func.func @_edge_body(%arg0: i32, %arg1: memref<8000x128xf32, #tpu.memory_space<vmem>>, %arg2: memref<8000x16xf32, #tpu.memory_space<vmem>>, %arg3: memref<16x128xf32, #tpu.memory_space<vmem>>, %arg4: memref<1x128xf32, #tpu.memory_space<vmem>>, %arg5: memref<1x128xf32, #tpu.memory_space<vmem>>, %arg6: memref<128x128xf32, #tpu.memory_space<vmem>>, %arg7: memref<1x128xf32, #tpu.memory_space<vmem>>, %arg8: memref<8000x128xf32, #tpu.memory_space<vmem>>) attributes {dimension_semantics = [#tpu.dimension_semantics<arbitrary>], iteration_bounds = array<i64: 20>, scalar_prefetch = 0 : i64, scratch_operands = 0 : i64, tpu.core_type = #tpu.core_type<tc>, window_params = [{transform_indices = @transform_0, window_bounds = array<i64: 8000, 128>}, {transform_indices = @transform_1, window_bounds = array<i64: 8000, 16>}, {pipeline_mode = #tpu.pipeline_mode<synchronous>, transform_indices = @transform_2, window_bounds = array<i64: 16, 128>}, {pipeline_mode = #tpu.pipeline_mode<synchronous>, transform_indices = @transform_3, window_bounds = array<i64: 1, 128>}, {pipeline_mode = #tpu.pipeline_mode<synchronous>, transform_indices = @transform_4, window_bounds = array<i64: 1, 128>}, {pipeline_mode = #tpu.pipeline_mode<synchronous>, transform_indices = @transform_5, window_bounds = array<i64: 128, 128>}, {pipeline_mode = #tpu.pipeline_mode<synchronous>, transform_indices = @transform_6, window_bounds = array<i64: 1, 128>}, {transform_indices = @transform_7, window_bounds = array<i64: 8000, 128>}]} {
    %get3A = arith.constant 0 : index
    %get3A_0 = arith.constant 0 : index
    %get3A_1 = vector.load %arg1[%get3A, %get3A_0] : memref<8000x128xf32, #tpu.memory_space<vmem>>, vector<8000x128xf32>
    %get3A_2 = arith.constant 0 : index
    %get3A_3 = arith.constant 0 : index
    %get3A_4 = vector.load %arg2[%get3A_2, %get3A_3] : memref<8000x16xf32, #tpu.memory_space<vmem>>, vector<8000x16xf32>
    %get3A_5 = arith.constant 0 : index
    %get3A_6 = arith.constant 0 : index
    %get3A_7 = vector.load %arg3[%get3A_5, %get3A_6] : memref<16x128xf32, #tpu.memory_space<vmem>>, vector<16x128xf32>
    %dot_general3A = arith.constant dense<0.000000e+00> : vector<8000x128xf32>
    %dot_general3A_8 = tpu.matmul %get3A_4, %get3A_7, %dot_general3A {dimension_numbers = #tpu.dot_dimension_numbers<[1], [0], [0], [1], [0, 0, 1, 1], [], []>, transpose_lhs_hint = false} : vector<8000x16xf32>, vector<16x128xf32>, vector<8000x128xf32> -> vector<8000x128xf32>
    %add3A = arith.addf %get3A_1, %dot_general3A_8 : vector<8000x128xf32>
    %get3A_9 = arith.constant 0 : index
    %get3A_10 = arith.constant 0 : index
    %get3A_11 = vector.load %arg4[%get3A_9, %get3A_10] : memref<1x128xf32, #tpu.memory_space<vmem>>, vector<1x128xf32>
    %mul3A = vector.broadcast %get3A_11 : vector<1x128xf32> to vector<8000x128xf32>
    %mul3A_12 = arith.mulf %add3A, %mul3A : vector<8000x128xf32>
    %get3A_13 = arith.constant 0 : index
    %get3A_14 = arith.constant 0 : index
    %get3A_15 = vector.load %arg5[%get3A_13, %get3A_14] : memref<1x128xf32, #tpu.memory_space<vmem>>, vector<1x128xf32>
    %add3A_16 = vector.broadcast %get3A_15 : vector<1x128xf32> to vector<8000x128xf32>
    %add3A_17 = arith.addf %mul3A_12, %add3A_16 : vector<8000x128xf32>
    %max3A = arith.constant 0.000000e+00 : f32
    %max3A_18 = vector.broadcast %max3A : f32 to vector<8000x128xf32>
    %max3A_19 = arith.maximumf %add3A_17, %max3A_18 : vector<8000x128xf32>
    %get3A_20 = arith.constant 0 : index
    %get3A_21 = arith.constant 0 : index
    %get3A_22 = vector.load %arg6[%get3A_20, %get3A_21] : memref<128x128xf32, #tpu.memory_space<vmem>>, vector<128x128xf32>
    %dot_general3A_23 = arith.constant dense<0.000000e+00> : vector<8000x128xf32>
    %dot_general3A_24 = tpu.matmul %max3A_19, %get3A_22, %dot_general3A_23 {dimension_numbers = #tpu.dot_dimension_numbers<[1], [0], [0], [1], [0, 0, 1, 1], [], []>, transpose_lhs_hint = false} : vector<8000x128xf32>, vector<128x128xf32>, vector<8000x128xf32> -> vector<8000x128xf32>
    %get3A_25 = arith.constant 0 : index
    %get3A_26 = arith.constant 0 : index
    %get3A_27 = vector.load %arg7[%get3A_25, %get3A_26] : memref<1x128xf32, #tpu.memory_space<vmem>>, vector<1x128xf32>
    %add3A_28 = vector.broadcast %get3A_27 : vector<1x128xf32> to vector<8000x128xf32>
    %add3A_29 = arith.addf %dot_general3A_24, %add3A_28 : vector<8000x128xf32>
    %swap3A = arith.constant 0 : index
    %swap3A_30 = arith.constant 0 : index
    %swap3A_31 = vector.load %arg8[%swap3A, %swap3A_30] : memref<8000x128xf32, #tpu.memory_space<vmem>>, vector<8000x128xf32>
    tpu.vector_store %arg8[%swap3A, %swap3A_30], %add3A_29 {strides = array<i32>} : memref<8000x128xf32, #tpu.memory_space<vmem>>, vector<8000x128xf32>,
    return
  }
  func.func @transform_0(%arg0: i32) -> (i32, i32) {
    %c0_i32 = arith.constant 0 : i32
    %c0_i32_0 = arith.constant 0 : i32
    return %arg0, %c0_i32 : i32, i32
  }
  func.func @transform_1(%arg0: i32) -> (i32, i32) {
    %c0_i32 = arith.constant 0 : i32
    %c0_i32_0 = arith.constant 0 : i32
    return %arg0, %c0_i32 : i32, i32
  }
  func.func @transform_2(%arg0: i32) -> (i32, i32) {
    %c0_i32 = arith.constant 0 : i32
    %c0_i32_0 = arith.constant 0 : i32
    %c0_i32_1 = arith.constant 0 : i32
    return %c0_i32, %c0_i32_0 : i32, i32
  }
  func.func @transform_3(%arg0: i32) -> (i32, i32) {
    %c0_i32 = arith.constant 0 : i32
    %c0_i32_0 = arith.constant 0 : i32
    %c0_i32_1 = arith.constant 0 : i32
    return %c0_i32, %c0_i32_0 : i32, i32
  }
  func.func @transform_4(%arg0: i32) -> (i32, i32) {
    %c0_i32 = arith.constant 0 : i32
    %c0_i32_0 = arith.constant 0 : i32
    %c0_i32_1 = arith.constant 0 : i32
    return %c0_i32, %c0_i32_0 : i32, i32
  }
  func.func @transform_5(%arg0: i32) -> (i32, i32) {
    %c0_i32 = arith.constant 0 : i32
    %c0_i32_0 = arith.constant 0 : i32
    %c0_i32_1 = arith.constant 0 : i32
    return %c0_i32, %c0_i32_0 : i32, i32
  }
  func.func @transform_6(%arg0: i32) -> (i32, i32) {
    %c0_i32 = arith.constant 0 : i32
    %c0_i32_0 = arith.constant 0 : i32
    %c0_i32_1 = arith.constant 0 : i32
    return %c0_i32, %c0_i32_0 : i32, i32
  }
  func.func @transform_7(%arg0: i32) -> (i32, i32) {
    %c0_i32 = arith.constant 0 : i32
    %c0_i32_0 = arith.constant 0 : i32
    return %arg0, %c0_i32 : i32, i32
  }
}

module attributes {stable_mosaic.version = 14 : i64} {
  func.func @_node_body(%arg0: memref<10000x128xf32, #tpu.memory_space<vmem>>, %arg1: memref<2x10000x128xf32, #tpu.memory_space<vmem>>, %arg2: memref<2x10000x128xf32, #tpu.memory_space<vmem>>, %arg3: memref<128x128xf32, #tpu.memory_space<vmem>>, %arg4: memref<128x128xf32, #tpu.memory_space<vmem>>, %arg5: memref<1x128xf32, #tpu.memory_space<vmem>>, %arg6: memref<1x128xf32, #tpu.memory_space<vmem>>, %arg7: memref<1x128xf32, #tpu.memory_space<vmem>>, %arg8: memref<128x128xf32, #tpu.memory_space<vmem>>, %arg9: memref<1x128xf32, #tpu.memory_space<vmem>>, %arg10: memref<10000x128xf32, #tpu.memory_space<vmem>>) attributes {dimension_semantics = [], scalar_prefetch = 0 : i64, scratch_operands = 0 : i64, tpu.core_type = #tpu.core_type<tc>} {
    %get3A = arith.constant 0 : index
    %get3A_0 = arith.constant 0 : index
    %get3A_1 = arith.constant 0 : index
    %get3A_2 = vector.load %arg1[%get3A, %get3A_0, %get3A_1] : memref<2x10000x128xf32, #tpu.memory_space<vmem>>, vector<1x10000x128xf32>
    %get3A_3 = vector.shape_cast %get3A_2 : vector<1x10000x128xf32> to vector<10000x128xf32>
    %get3A_4 = arith.constant 1 : index
    %get3A_5 = arith.constant 0 : index
    %get3A_6 = arith.constant 0 : index
    %get3A_7 = vector.load %arg1[%get3A_4, %get3A_5, %get3A_6] : memref<2x10000x128xf32, #tpu.memory_space<vmem>>, vector<1x10000x128xf32>
    %get3A_8 = vector.shape_cast %get3A_7 : vector<1x10000x128xf32> to vector<10000x128xf32>
    %add3A = arith.addf %get3A_3, %get3A_8 : vector<10000x128xf32>
    %get3A_9 = arith.constant 0 : index
    %get3A_10 = arith.constant 0 : index
    %get3A_11 = arith.constant 0 : index
    %get3A_12 = vector.load %arg2[%get3A_9, %get3A_10, %get3A_11] : memref<2x10000x128xf32, #tpu.memory_space<vmem>>, vector<1x10000x128xf32>
    %get3A_13 = vector.shape_cast %get3A_12 : vector<1x10000x128xf32> to vector<10000x128xf32>
    %get3A_14 = arith.constant 1 : index
    %get3A_15 = arith.constant 0 : index
    %get3A_16 = arith.constant 0 : index
    %get3A_17 = vector.load %arg2[%get3A_14, %get3A_15, %get3A_16] : memref<2x10000x128xf32, #tpu.memory_space<vmem>>, vector<1x10000x128xf32>
    %get3A_18 = vector.shape_cast %get3A_17 : vector<1x10000x128xf32> to vector<10000x128xf32>
    %add3A_19 = arith.addf %get3A_13, %get3A_18 : vector<10000x128xf32>
    %add3A_20 = arith.addf %add3A, %add3A_19 : vector<10000x128xf32>
    %get3A_21 = arith.constant 0 : index
    %get3A_22 = arith.constant 0 : index
    %get3A_23 = vector.load %arg0[%get3A_21, %get3A_22] : memref<10000x128xf32, #tpu.memory_space<vmem>>, vector<10000x128xf32>
    %get3A_24 = arith.constant 0 : index
    %get3A_25 = arith.constant 0 : index
    %get3A_26 = vector.load %arg3[%get3A_24, %get3A_25] : memref<128x128xf32, #tpu.memory_space<vmem>>, vector<128x128xf32>
    %dot_general3A = arith.constant dense<0.000000e+00> : vector<10000x128xf32>
    %dot_general3A_27 = tpu.matmul %get3A_23, %get3A_26, %dot_general3A {dimension_numbers = #tpu.dot_dimension_numbers<[1], [0], [0], [1], [0, 0, 1, 1], [], []>, transpose_lhs_hint = false} : vector<10000x128xf32>, vector<128x128xf32>, vector<10000x128xf32> -> vector<10000x128xf32>
    %get3A_28 = arith.constant 0 : index
    %get3A_29 = arith.constant 0 : index
    %get3A_30 = vector.load %arg4[%get3A_28, %get3A_29] : memref<128x128xf32, #tpu.memory_space<vmem>>, vector<128x128xf32>
    %dot_general3A_31 = arith.constant dense<0.000000e+00> : vector<10000x128xf32>
    %dot_general3A_32 = tpu.matmul %add3A_20, %get3A_30, %dot_general3A_31 {dimension_numbers = #tpu.dot_dimension_numbers<[1], [0], [0], [1], [0, 0, 1, 1], [], []>, transpose_lhs_hint = false} : vector<10000x128xf32>, vector<128x128xf32>, vector<10000x128xf32> -> vector<10000x128xf32>
    %add3A_33 = arith.addf %dot_general3A_27, %dot_general3A_32 : vector<10000x128xf32>
    %get3A_34 = arith.constant 0 : index
    %get3A_35 = arith.constant 0 : index
    %get3A_36 = vector.load %arg5[%get3A_34, %get3A_35] : memref<1x128xf32, #tpu.memory_space<vmem>>, vector<1x128xf32>
    %add3A_37 = vector.broadcast %get3A_36 : vector<1x128xf32> to vector<10000x128xf32>
    %add3A_38 = arith.addf %add3A_33, %add3A_37 : vector<10000x128xf32>
    %reduce_sum3A = arith.constant dense<0.000000e+00> : vector<128xf32>
    %reduce_sum3A_39 = vector.multi_reduction <add>, %add3A_38, %reduce_sum3A [0] : vector<10000x128xf32> to vector<128xf32>
    %broadcast_in_dim3A = vector.shape_cast %reduce_sum3A_39 : vector<128xf32> to vector<1x128xf32>
    %div3A = arith.constant 1.000000e+04 : f32
    %div3A_40 = vector.broadcast %div3A : f32 to vector<1x128xf32>
    %div3A_41 = arith.divf %broadcast_in_dim3A, %div3A_40 : vector<1x128xf32>
    %mul3A = arith.mulf %add3A_38, %add3A_38 : vector<10000x128xf32>
    %reduce_sum3A_42 = arith.constant dense<0.000000e+00> : vector<128xf32>
    %reduce_sum3A_43 = vector.multi_reduction <add>, %mul3A, %reduce_sum3A_42 [0] : vector<10000x128xf32> to vector<128xf32>
    %broadcast_in_dim3A_44 = vector.shape_cast %reduce_sum3A_43 : vector<128xf32> to vector<1x128xf32>
    %div3A_45 = arith.constant 1.000000e+04 : f32
    %div3A_46 = vector.broadcast %div3A_45 : f32 to vector<1x128xf32>
    %div3A_47 = arith.divf %broadcast_in_dim3A_44, %div3A_46 : vector<1x128xf32>
    %mul3A_48 = arith.mulf %div3A_41, %div3A_41 : vector<1x128xf32>
    %sub3A = arith.subf %div3A_47, %mul3A_48 : vector<1x128xf32>
    %sub3A_49 = vector.broadcast %div3A_41 : vector<1x128xf32> to vector<10000x128xf32>
    %sub3A_50 = arith.subf %add3A_38, %sub3A_49 : vector<10000x128xf32>
    %add3A_51 = arith.constant 9.99999974E-6 : f32
    %add3A_52 = vector.broadcast %add3A_51 : f32 to vector<1x128xf32>
    %add3A_53 = arith.addf %sub3A, %add3A_52 : vector<1x128xf32>
    %rsqrt3A = math.rsqrt %add3A_53 : vector<1x128xf32>
    %mul3A_54 = vector.broadcast %rsqrt3A : vector<1x128xf32> to vector<10000x128xf32>
    %mul3A_55 = arith.mulf %sub3A_50, %mul3A_54 : vector<10000x128xf32>
    %get3A_56 = arith.constant 0 : index
    %get3A_57 = arith.constant 0 : index
    %get3A_58 = vector.load %arg6[%get3A_56, %get3A_57] : memref<1x128xf32, #tpu.memory_space<vmem>>, vector<1x128xf32>
    %mul3A_59 = vector.broadcast %get3A_58 : vector<1x128xf32> to vector<10000x128xf32>
    %mul3A_60 = arith.mulf %mul3A_55, %mul3A_59 : vector<10000x128xf32>
    %get3A_61 = arith.constant 0 : index
    %get3A_62 = arith.constant 0 : index
    %get3A_63 = vector.load %arg7[%get3A_61, %get3A_62] : memref<1x128xf32, #tpu.memory_space<vmem>>, vector<1x128xf32>
    %add3A_64 = vector.broadcast %get3A_63 : vector<1x128xf32> to vector<10000x128xf32>
    %add3A_65 = arith.addf %mul3A_60, %add3A_64 : vector<10000x128xf32>
    %max3A = arith.constant 0.000000e+00 : f32
    %max3A_66 = vector.broadcast %max3A : f32 to vector<10000x128xf32>
    %max3A_67 = arith.maximumf %add3A_65, %max3A_66 : vector<10000x128xf32>
    %get3A_68 = arith.constant 0 : index
    %get3A_69 = arith.constant 0 : index
    %get3A_70 = vector.load %arg8[%get3A_68, %get3A_69] : memref<128x128xf32, #tpu.memory_space<vmem>>, vector<128x128xf32>
    %dot_general3A_71 = arith.constant dense<0.000000e+00> : vector<10000x128xf32>
    %dot_general3A_72 = tpu.matmul %max3A_67, %get3A_70, %dot_general3A_71 {dimension_numbers = #tpu.dot_dimension_numbers<[1], [0], [0], [1], [0, 0, 1, 1], [], []>, transpose_lhs_hint = false} : vector<10000x128xf32>, vector<128x128xf32>, vector<10000x128xf32> -> vector<10000x128xf32>
    %get3A_73 = arith.constant 0 : index
    %get3A_74 = arith.constant 0 : index
    %get3A_75 = vector.load %arg9[%get3A_73, %get3A_74] : memref<1x128xf32, #tpu.memory_space<vmem>>, vector<1x128xf32>
    %add3A_76 = vector.broadcast %get3A_75 : vector<1x128xf32> to vector<10000x128xf32>
    %add3A_77 = arith.addf %dot_general3A_72, %add3A_76 : vector<10000x128xf32>
    %swap3A = arith.constant 0 : index
    %swap3A_78 = arith.constant 0 : index
    %swap3A_79 = vector.load %arg10[%swap3A, %swap3A_78] : memref<10000x128xf32, #tpu.memory_space<vmem>>, vector<10000x128xf32>
    tpu.vector_store %arg10[%swap3A, %swap3A_78], %add3A_77 {strides = array<i32>} : memref<10000x128xf32, #tpu.memory_space<vmem>>, vector<10000x128xf32>,
    return
  }
}

</mosaic_0001>

<sc_bundles>
// kernel: kernel.13.cloned.1.call-start
scs
__scs_entry_jumppad:
0x0: {  	(pc) =	sbr.rel $0x88, $3  }
0x1: {  	(tag) =	ssettag $0x0;
	lr =	simm.s32 $0x1  }
0x2: {  	[smem:$0x3F92] =	sst lr;
	_ =	strace $0xD0000000  }
0x3: {  	_ = 	snop  }
0x4: {  	_ = 	snop  }
0x5: {  	_ = 	snop  }
0x6: {  	_ = 	snop  }
0x7: {  	_ = 	snop  }
__scs_overlays_trampoline_lowered:
0x8: {  	[smem:$0x3FA1] =	sst s0  }
0x9: {  	[smem:$0x3FA2] =	sst s1  }
0xa: {  	[smem:$0x3FA3] =	sst s2  }
0xb: {  	[smem:$0x3FA4] =	sst s3  }
0xc: {  	[smem:$0x3FA5] =	sst s4  }
0xd: {  	[smem:$0x3FA6] =	sst s5  }
0xe: {  	[smem:$0x3FA7] =	sst s6  }
0xf: {  	[smem:$0x3FA8] =	sst s7  }
0x10: {  	[smem:$0x3FA9] =	sst s8  }
0x11: {  	[smem:$0x3FAA] =	sst s9;
	s0 =	simm.s32 @!p0 $0x0  }
0x12: {  	s1 =	sld [smem:$0x3F90];
	s0 =	simm.s32 @p0 $0x1  }
0x13: {  	[smem:$0x3FAB] =	sst s0;
	s0 =	simm.s32 @!p1 $0x0  }
0x14: {  	s2 =	sld [smem:$0x3F8F];
	s0 =	simm.s32 @p1 $0x1  }
0x15: {  	[smem:$0x3FAC] =	sst s0;
	s0 =	simm.s32 @!p2 $0x0  }
0x16: {  	s3 =	sld [smem:$0x3FDB];
	s0 =	simm.s32 @p2 $0x1  }
0x17: {  	s4 =	simm.s32 $0x1BF5;
	[smem:$0x3FAE] =	sst s0  }
0x18: {  	s0 =	sld [smem:$0x3F91];
	_ =	swait.ge [sflag:s4], $0x0  }
0x19: {  	s7 =	sld [smem:$0x3F92]  }
0x1a: {  	s8 =	sadd.s32 $0xFFFFE003, lr  }
0x1b: {  	s9 =	sadd.s32 $0xFFFFFEF7, lr;
	s5 =	simm.s32 $0xFFFFFFFF;
	p2 =	slt.u32 s8, $0xFFFFF086  }
0x1c: {  	p1 =	slt.u32 s9, $0xF7A;
	s5 =	simm.s32 @!p2 $0x0  }
0x1d: {  	s5 =	simm.s32 @p1 $0x1;
	p0 =	seq.s32 s7, s2  }
0x1e: {  	s7 =	smul.u32 @!p0 $0xF7A, s2;
	p2 =	seq.s32 @!p0 s5, $0x0  }
0x1f: {  	s9 =	smul.u32 $0xF7A, s1;
	s8 =	simm.s32 @!p0 $0x1BF5;
	p2 =	por !p2, p0  }
0x20: {  	[sflag:s8] =	ssyncset.s32 @!p0 $0xFFFFF086;
	s6 =	sadd.s32 @!p0 s3, s7;
	s7 =	simm.s32 @!p0 $0x108  }
0x21: {  	s3 =	sadd.s32 s3, s9;
	s6 =	sadd.s32 @!p0 $0x88, s6;
	s7 =	simm.s32 @p2 $0x1082  }
0x22: {  	[simem:s7], [sflag:s8] =	dma.local @!p0 [hbm:s6], $0xF7A  }
0x23: {  	s9 =	sor.u32 $0xD0000000, s2;
	s6 =	simm.s32 $0x108;
	_ =	swait.ge @!p0 [sflag:s8], $0x0  }
0x24: {  	s3 =	sadd.s32 $0x88, s3;
	s6 =	simm.s32 @!p1 $0x1082;
	[sflag:s4] =	ssyncset.s32 $0xFFFFF086  }
0x25: {  	[simem:s6], [sflag:s4] =	dma.local [hbm:s3], $0xF7A  }
0x26: {  	[smem:$0x3F92] =	sst s1;
	(tag) =	ssettag s2;
	_ =	strace s9  }
0x27: {  	s1 =	sld [smem:$0x3FA2]  }
0x28: {  	s2 =	sld [smem:$0x3FA3]  }
0x29: {  	s4 =	sld [smem:$0x3FA5]  }
0x2a: {  	p0 =	seq.s32 s5, $0x0;
	s5 =	sld [smem:$0x3FA6]  }
0x2b: {  	s6 =	sld [smem:$0x3FA7]  }
0x2c: {  	s7 =	sld [smem:$0x3FA8]  }
0x2d: {  	s3 =	simm.s32 $0x108;
	s8 =	sld [smem:$0x3FA9]  }
0x2e: {  	s3 =	simm.s32 @!p0 $0x1082;
	s9 =	sld [smem:$0x3FAA]  }
0x2f: {  	lr =	sadd.s32 s0, s3;
	s0 =	sld [smem:$0x3FA1]  }
0x30: {  	s3 =	sld [smem:$0x3FA4]  }
0x31: {  	[smem:$0x3FAD] =	sst s10  }
0x32: {  	s10 =	sld [smem:$0x3FAB];
	_ =	sdelay $0x3  }
0x33: {  	p0 =	seq.s32 s10, $0x1;
	s10 =	sld [smem:$0x3FAD];
	_ =	sdelay $0x3  }
0x34: {  	[smem:$0x3FAD] =	sst s10  }
0x35: {  	s10 =	sld [smem:$0x3FAC];
	_ =	sdelay $0x3  }
0x36: {  	p1 =	seq.s32 s10, $0x1;
	s10 =	sld [smem:$0x3FAD];
	_ =	sdelay $0x3  }
0x37: {  	[smem:$0x3FAD] =	sst s10  }
0x38: {  	s10 =	sld [smem:$0x3FAE]  }
0x39: {  	_ = 	snop;
	(pc) =	sbr.ind lr, $3  }
0x3a: {  	_ = 	snop  }
0x3b: {  	_ = 	snop  }
0x3c: {  	p2 =	seq.s32 s10, $0x1;
	s10 =	sld [smem:$0x3FAD]  }
0x3d: {  	_ =	shalt  }
0x3e: {  	_ =	shalt  }
0x3f: {  	_ =	shalt  }
0x40: {  	_ =	shalt  }
0x41: {  	_ =	shalt  }
0x42: {  	_ =	shalt  }
0x43: {  	_ =	shalt  }
0x44: {  	_ =	shalt  }
0x45: {  	_ =	shalt  }
0x46: {  	_ =	shalt  }
0x47: {  	_ =	shalt  }
0x48: {  	_ =	shalt  }
0x49: {  	_ =	shalt  }
0x4a: {  	_ =	shalt  }
0x4b: {  	_ =	shalt  }
0x4c: {  	_ =	shalt  }
0x4d: {  	_ =	shalt  }
0x4e: {  	_ =	shalt  }
0x4f: {  	_ =	shalt  }
0x50: {  	_ =	shalt  }
0x51: {  	_ =	shalt  }
0x52: {  	_ =	shalt  }
0x53: {  	_ =	shalt  }
0x54: {  	_ =	shalt  }
0x55: {  	_ =	shalt  }
0x56: {  	_ =	shalt  }
0x57: {  	_ =	shalt  }
0x58: {  	_ =	shalt  }
0x59: {  	_ =	shalt  }
0x5a: {  	_ =	shalt  }
0x5b: {  	_ =	shalt  }
0x5c: {  	_ =	shalt  }
0x5d: {  	_ =	shalt  }
0x5e: {  	_ =	shalt  }
0x5f: {  	_ =	shalt  }
0x60: {  	_ =	shalt  }
0x61: {  	_ =	shalt  }
0x62: {  	_ =	shalt  }
0x63: {  	_ =	shalt  }
0x64: {  	_ =	shalt  }
0x65: {  	_ =	shalt  }
0x66: {  	_ =	shalt  }
0x67: {  	_ =	shalt  }
0x68: {  	_ =	shalt  }
0x69: {  	_ =	shalt  }
0x6a: {  	_ =	shalt  }
0x6b: {  	_ =	shalt  }
0x6c: {  	_ =	shalt  }
0x6d: {  	_ =	shalt  }
0x6e: {  	_ =	shalt  }
0x6f: {  	_ =	shalt  }
0x70: {  	_ =	shalt  }
0x71: {  	_ =	shalt  }
0x72: {  	_ =	shalt  }
0x73: {  	_ =	shalt  }
0x74: {  	_ =	shalt  }
0x75: {  	_ =	shalt  }
0x76: {  	_ =	shalt  }
0x77: {  	_ =	shalt  }
0x78: {  	_ =	shalt  }
0x79: {  	_ =	shalt  }
0x7a: {  	_ =	shalt  }
0x7b: {  	_ =	shalt  }
0x7c: {  	_ =	shalt  }
0x7d: {  	_ =	shalt  }
0x7e: {  	_ =	shalt  }
0x7f: {  	_ =	shalt  }
0x80: {  	_ =	shalt  }
0x81: {  	_ =	shalt  }
0x82: {  	_ =	shalt  }
0x83: {  	_ =	shalt  }
0x84: {  	_ =	shalt  }
0x85: {  	_ =	shalt  }
0x86: {  	_ =	shalt  }
0x87: {  	_ =	shalt  }
.Lfunc_end0:
.L_simem_size_0:
called_computation_lowered:
.L_overlay_start_0:
0x88: {  	s2 =	sld [smem:$0x3FD9]  }
0x89: {  	s3 =	sld [smem:$0x3FFE];
	_ =	sdelay $0x1  }
0x8a: {  	s1 =	srdreg.scid  }
0x8b: {  	s0 =	sand.u32 $0x1, s1  }
0x8c: {  	s17 =	sshll.u32 s0, $0xA;
	s2 =	sadd.s32 s3, s2  }
0x8d: {  	s2 =	sadd.s32 s2, s17  }
0x8e: {  	[smem:$0x3FB9] =	sst s2  }
0x8f: {  	_ = 	snop  }
0x90: {  	s18 =	sld [smem:$0x3FD0];
	(tm) =	ssettm $0x1  }
0x91: {  	s19 =	sld [smem:$0x3FFB];
	_ =	sdelay $0x3  }
0x92: {  	_ =	strace s19  }
0x93: {  	s2 =	sld [smem:$0x3FFC];
	_ =	sdelay $0x3  }
0x94: {  	_ =	strace s2  }
0x95: {  	s2 =	sld [smem:$0x3FFD];
	_ =	sdelay $0x3  }
0x96: {  	_ =	strace s2  }
0x97: {  	_ =	strace $0x8FFFFFFF  }
0x98: {  	s20 =	sld [smem:$0x3FDB];
	_ =	sdelay $0x1  }
0x99: {  	s4 =	simm.s32 $_scs_section_size  }
0x9a: {  	s5 =	simm.s32 $_size__tile_overlayer_lowered;
	s6 =	simm.s32 $_tile_overlayer_lowered  }
0x9b: {  	s7 =	simm.s32 $0x1BFF;
	s21 =	sshll.u32 s6, $0x1;
	s4 =	sadd.s32 s4, s20  }
0x9c: {  	s22 =	simm.s32 $0x0;
	s5 =	sshll.u32 s5, $0x1;
	s6 =	sadd.s32 s21, s4  }
0x9d: {  	[timem:s22], [sflag:s7] =	dma.local [hbm:s6], s5  }
0x9e: {  	_ =	swait.ge [sflag:s7], s5  }
0x9f: {  	s5 =	ssub.s32 $0x0, s5;
	[sflag:s7] =	ssyncset.done $0x0  }
0xa0: {  	[sflag:s7] =	ssyncadd.s32 s5;
	_ =	sdelay $0x1  }
0xa1: {  	s23 =	simm.s32 $0x1B8B  }
0xa2: {  	_ =	swait.ge [sflag:s23], $0x1  }
0xa3: {  	[sflag:s23] =	ssyncset.done $0x0  }
0xa4: {  	[sflag:s23] =	ssyncadd.s32 $0xFFFFFFFF  }
0xa5: {  	s5 =	sld [smem:$0x0]  }
0xa6: {  	s6 =	sand.u32 $0xFFFFFFFE, s1  }
0xa7: {  	p0 =	sne.s32 s1, s6  }
0xa8: {  	s6 =	sshll.u32 @p0 s6, $0xE  }
0xa9: {  	s6 =	sadd.s32 @p0 $0x11B8D, s6;
	s7 =	sshll.u32 @p0 s5, $0x11  }
0xaa: {  	s6 =	sor.u32 @p0 s7, s6  }
0xab: {  	[sflag:s6] =	ssyncadd.remote.s32 @p0 $0x1;
	_ =	sdelay $0x1  }
0xac: {  	s6 =	simm.s32 @p0 $0x1B8D  }
0xad: {  	_ =	swait.eq @p0 [sflag:s6], $0x1  }
0xae: {  	[sflag:s6] =	ssyncadd.s32 @p0 $0xFFFFFFFF  }
0xaf: {  	s7 =	sshll.u32 @!p0 s1, $0xE  }
0xb0: {  	s7 =	sor.u32 @!p0 $0x4000, s7;
	s6 =	simm.s32 @!p0 $0x1B8D  }
0xb1: {  	s5 =	sshll.u32 @!p0 s5, $0x11;
	s7 =	sadd.s32 @!p0 $0x11B8D, s7;
	_ =	swait.eq @!p0 [sflag:s6], $0x1  }
0xb2: {  	s5 =	sor.u32 @!p0 s5, s7;
	[sflag:s6] =	ssyncadd.s32 @!p0 $0xFFFFFFFF  }
0xb3: {  	s25 =	simm.s32 $0x1B8E;
	s24 =	sld [smem:$0x3FFE];
	[sflag:s5] =	ssyncadd.remote.s32 @!p0 $0x1  }
0xb4: {  	s26 =	simm.s32 $execute0_lowered;
	[smem:$0x3FD2] =	sst s25  }
0xb5: {  	s6 =	sshll.u32 s26, $0x1;
	_ =	strace $0x80000049;
	[dreg:$0x1] =	wrdreg $0xFFFFFFFF  }
0xb6: {  	s28 =	simm.s32 $_size_execute0_lowered;
	s4 =	sadd.s32 s4, s6;
	[dreg:$0x0] =	wrdreg $0x0  }
0xb7: {  	s6 =	sshll.u32 s28, $0x1;
	[dreg:$0x2] =	wrdreg s4  }
0xb8: {  	[dreg:$0x3] =	wrdreg s6  }
0xb9: {  	[dreg:$0x4] =	wrdreg $0xC0  }
0xba: {  	_ =	task [dreg:s22], $0x5FFFF  }
0xbb: {  	[dreg:$0x1] =	wrdreg $0xFFFFFFFF  }
0xbc: {  	[dreg:$0x0] =	wrdreg $0x60  }
0xbd: {  	[dreg:$0x2] =	wrdreg s18  }
0xbe: {  	[dreg:$0x3] =	wrdreg s24  }
0xbf: {  	[dreg:$0x4] =	wrdreg $0x81000  }
0xc0: {  	[dreg:$0x5] =	wrdreg $0x9  }
0xc1: {  	_ =	task.clear_ibuf [dreg:s22], $0x6FFFF;
	_ =	strace $0x90000049  }
0xc2: {  	s29 =	simm.s32 $0x9;
	_ =	strace $0x8000004B  }
0xc3: {  	_ =	swait.ge [sflag:s29], $0x1  }
0xc4: {  	[sflag:s29] =	ssyncadd.s32 $0xFFFFFFFF  }
0xc5: {  	_ =	strace $0x9000004B  }
0xc6: {  	_ =	sfence  }
0xc7: {  	s30 =	sld [smem:$0x0];
	_ =	sdelay $0x2  }
0xc8: {  	s31 =	sshll.u32 s1, $0xD;
	s1 =	sshrl.u32 s1, $0x2  }
0xc9: {  	s4 =	sand.u32 $0x4000, s31;
	s1 =	sadd.s32 s1, s30  }
0xca: {  	s0 =	sor.u32 s4, s0;
	s1 =	sshll.u32 s1, $0x11  }
0xcb: {  	s0 =	sor.u32 s1, s0  }
0xcc: {  	s0 =	sadd.s32 $0x8F2B, s0  }
0xcd: {  	[sflag:s0] =	ssyncadd.remote.s32 $0x1  }
0xce: {  	_ =	sfence.sel $0xFFFF  }
0xcf: {  	[dreg:$0x0] =	wrdreg $0xFFFFFFFF;
	(pc) =	sbr.abs _section_cstart, $3  }
0xd0: {  	[dreg:$0x1] =	wrdreg $0xFFFFFFFF  }
0xd1: {  	_ =	task.clear_ibuf [dreg:s22], $0x2FFFF;
	_ =	strace $0x9FFFFFFF  }
0xd2: {  	(tm) =	ssettm $0x7FFFFFFF  }
0xd3: {  	_ =	shalt  }
tec
execute0_lowered:
.L_overlay_start_1:
0x0: {  	(tag) =	ssettag $0x1  }
0x1: {  	s5 =	rddreg [dreg:$0x0]  }
0x2: {  	s6 =	rddreg [dreg:$0x1]  }
0x3: {  	s1 =	rddreg [dreg:$0x2]  }
0x4: {  	s0 =	rddreg [dreg:$0x3];
	s3 =	simm.s32 $0x0;
	s2 =	stileid.u32  }
0x5: {  	s4 =	srdreg.scid;
	s13 =	simm.s32 $0x80;
	s14 =	simm.s32 $0x100  }
0x6: {  	s15 =	simm.s32 $0x4100;
	s16 =	simm.s32 $0x1;
	s17 =	simm.s32 $0x0  }
0x7: {  	[smem:$0x7FF] =	sst s3;
	s7 =	sshll.u32 s2, $0xD;
	s8 =	smul.u32 $0x7D000, s2  }
0x8: {  	s9 =	sand.u32 $0x1, s4;
	s4 =	sadd.s32 $0x283000, s6;
	s11 =	smul.u32 $0x3E80, s2  }
0x9: {  	s28 =	sshll.u32 s2, $0x1;
	p0 =	sgt.u32 s2, $0x9;
	s31 =	sshll.u32 s2, $0x9  }
0xa: {  	_ =	strace $0x8000004A;
	s7 =	sadd.s32 s7, s6;
	s26 =	ssub.s32 $0x2, s9  }
0xb: {  	s29 =	sor.u32 s28, s9;
	s30 =	sshll.u32 s9, $0xC;
	s9 =	sshll.u32 s9, $0x8  }
0xc: {  	s10 =	sshrl.u32 s26, $0x1;
	s8 =	sshrl.u32 s8, $0x2;
	s5 =	sadd.s32 s5, s11  }
0xd: {  	s11 =	sshll.u32 @!p0 s2, $0x6;
	s9 =	sor.u32 s9, s31;
	s6 =	ssub.s32 s26, s10  }
0xe: {  	s12 =	sadd.s32 s8, s1;
	s8 =	ssub.s32 $0x290, s29;
	s10 =	sadd.s32 s30, s7  }
0xf: {  	s6 =	smax.u32 s6, $0x1;
	s7 =	sshrl.u32 s8, $0x5;
	s8 =	sadd.s32 $0x28D000, s10  }
0x10: {  	s10 =	sor.u32 @!p0 $0x1C02, s11;
	s11 =	sshrl.u32 @!p0 s12, $0x3;
	s12 =	simm.s32 $0x2  }
.LBB2_1:
0x11: {  	[spmem:s11], [sflag:s10] =	dma.local @!p0 [hbm:s5], $0x3E80  }
0x12: {  	s18 =	simm.s32 @!p0 $0x2;
	p2 =	sne.s32 s7, $0x1  }
.Ltmp0:
0x13: {  	_ =	swait.ge @!p0 [sflag:s18], $0x3E80;
	(pc) =	sbr.rel @!p2 .LBB2_2-.Ltmp0, $4  }
0x14: {  	[sflag:s18] =	ssyncset.done @!p0 $0x0  }
0x15: {  	[sflag:s18] =	ssyncadd.s32 @!p0 $0xFFFFC180  }
0x16: {  	[bflag:$0x0] =	sbarrier.arrive $0xFFFF  }
0x17: {  	s21 =	sshrl.u32 s9, $0x3;
	p1 =	por $0x0, $0x0;
	s18 =	sadd.s32 $0xFFFFFFFF, s7  }
0x18: {  	s19 =	sadd.s32 s4, s21  }
0x19: {  	[tilespmem:s3], [sflag:$0x2] =	stream.linear.gather [hbm4b:s19+s3], $0x100, $0x38;
	[tilespmem:$0x1B980] =	vst v63  }
0x1a: {  	_ =	swait.ge [sflag:s12], $0x100  }
0x1b: {  	[sflag:s12] =	ssyncset.done $0x0  }
0x1c: {  	[sflag:s12] =	ssyncadd.s32 $0xFFFFFF00  }
0x1d: {  	[tilespmem:s14], [sflag:$0x1] =	stream.indirect.gather [spmem:s1], $0x80, s3, s13, $0xb8;
	[tilespmem:$0x1B980] =	vst v63  }
0x1e: {  	_ = 	snop  }
0x1f: {  	[tilespmem:s15], [sflag:$0x1] =	stream.indirect.gather [spmem:s1], $0x80, s13, s13, $0xb8;
	[tilespmem:$0x1B980] =	vst v63  }
0x20: {  	_ =	swait.ge [sflag:s16], $0x4000  }
0x21: {  	[sflag:s16] =	ssyncset.done $0x0  }
0x22: {  	[sflag:s16] =	ssyncadd.s32 $0xFFFFC000  }
0x23: {  	p2 =	sne.s32 s18, $0x1;
	_ =	swait.ge [sflag:s16], $0x4000  }
.Ltmp1:
0x24: {  	[sflag:s16] =	ssyncset.done $0x0;
	(pc) =	sbr.rel @!p2 .LBB2_4-.Ltmp1, $4  }
0x25: {  	s20 =	sadd.s32 $0x2000, s9;
	[sflag:s16] =	ssyncadd.s32 $0xFFFFC000  }
0x26: {  	[hbm4b:s8+s3] =	stream.linear.scatter [tilespmem:s14], [sflag:$0x2], $0x8000, $0x38;
	[tilespmem:$0x1B980] =	vst v63  }
0x27: {  	p1 =	por $0x1, $0x1;
	s19 =	sadd.s32 $0xFFFFFFFF, s18;
	_ =	swait.ge [sflag:s12], $0x8000  }
0x28: {  	s21 =	sshrl.u32 s20, $0x3;
	s18 =	smov.u32 s8;
	[sflag:s12] =	ssyncset.done $0x0  }
.LBB2_5:
0x29: {  	s21 =	sadd.s32 s4, s21;
	[sflag:s12] =	ssyncadd.s32 $0xFFFF8000;
	s18 =	sadd.s32 $0x20000, s18  }
0x2a: {  	[tilespmem:s3], [sflag:$0x2] =	stream.linear.gather [hbm4b:s21+s3], $0x100, $0x38;
	[tilespmem:$0x1B980] =	vst v63  }
0x2b: {  	p2 =	sne.s32 s19, $0x1;
	s19 =	sadd.s32 $0xFFFFFFFF, s19;
	_ =	swait.ge [sflag:s12], $0x100  }
0x2c: {  	[sflag:s12] =	ssyncset.done $0x0  }
0x2d: {  	[sflag:s12] =	ssyncadd.s32 $0xFFFFFF00  }
0x2e: {  	[tilespmem:s14], [sflag:$0x1] =	stream.indirect.gather [spmem:s1], $0x80, s3, s13, $0xb8;
	[tilespmem:$0x1B980] =	vst v63  }
0x2f: {  	_ = 	snop  }
0x30: {  	[tilespmem:s15], [sflag:$0x1] =	stream.indirect.gather [spmem:s1], $0x80, s13, s13, $0xb8;
	[tilespmem:$0x1B980] =	vst v63  }
0x31: {  	_ =	swait.ge [sflag:s16], $0x4000  }
0x32: {  	[sflag:s16] =	ssyncset.done $0x0  }
0x33: {  	[sflag:s16] =	ssyncadd.s32 $0xFFFFC000  }
0x34: {  	_ =	swait.ge [sflag:s16], $0x4000  }
.Ltmp2:
0x35: {  	[sflag:s16] =	ssyncset.done $0x0;
	(pc) =	sbr.rel @p2 .LBB2_5-.Ltmp2, $4  }
0x36: {  	[sflag:s16] =	ssyncadd.s32 $0xFFFFC000  }
0x37: {  	[hbm4b:s18+s3] =	stream.linear.scatter [tilespmem:s14], [sflag:$0x2], $0x8000, $0x38;
	[tilespmem:$0x1B980] =	vst v63  }
0x38: {  	s20 =	sadd.s32 $0x2000, s20;
	_ =	swait.ge [sflag:s12], $0x8000  }
0x39: {  	s21 =	sshrl.u32 s20, $0x3;
	[sflag:s12] =	ssyncset.done $0x0  }
.LBB2_6:
0x3a: {  	s19 =	sadd.s32 s4, s21;
	[sflag:s12] =	ssyncadd.s32 @p1 $0xFFFF8000  }
0x3b: {  	[tilespmem:s3], [sflag:$0x2] =	stream.linear.gather [hbm4b:s19+s3], $0x100, $0x38;
	[tilespmem:$0x1B980] =	vst v63  }
0x3c: {  	_ =	swait.ge [sflag:s12], $0x100  }
0x3d: {  	[sflag:s12] =	ssyncset.done $0x0  }
0x3e: {  	[sflag:s12] =	ssyncadd.s32 $0xFFFFFF00  }
0x3f: {  	[tilespmem:s14], [sflag:$0x1] =	stream.indirect.gather [spmem:s1], $0x80, s3, s13, $0xb8;
	[tilespmem:$0x1B980] =	vst v63  }
0x40: {  	_ = 	snop  }
0x41: {  	[tilespmem:s15], [sflag:$0x1] =	stream.indirect.gather [spmem:s1], $0x80, s13, s13, $0xb8;
	[tilespmem:$0x1B980] =	vst v63  }
0x42: {  	_ =	swait.ge [sflag:s16], $0x4000  }
0x43: {  	[sflag:s16] =	ssyncset.done $0x0  }
0x44: {  	[sflag:s16] =	ssyncadd.s32 $0xFFFFC000  }
0x45: {  	s18 =	sadd.s32 @p1 $0x20000, s18;
	_ =	swait.ge [sflag:s16], $0x4000  }
0x46: {  	s17 =	sadd.s32 $0x1, s17;
	s19 =	smov.u32 s8;
	[sflag:s16] =	ssyncset.done $0x0  }
0x47: {  	s19 =	smov.u32 @p1 s18;
	p1 =	sne.s32 s17, s6;
	[sflag:s16] =	ssyncadd.s32 $0xFFFFC000  }
0x48: {  	[hbm4b:s19+s3] =	stream.linear.scatter [tilespmem:s14], [sflag:$0x2], $0x8000, $0x38;
	[tilespmem:$0x1B980] =	vst v63  }
.Ltmp3:
0x49: {  	_ = 	snop;
	(pc) =	sbr.rel @p1 .LBB2_1-.Ltmp3, $4  }
.Ltmp4:
0x4a: {  	_ = 	snop;
	(pc) =	sbr.rel @!p1 .LBB2_7-.Ltmp4, $4  }
0x4b: {  	_ =	swait.ge [sflag:s12], $0x8000  }
0x4c: {  	[sflag:s12] =	ssyncset.done $0x0  }
0x4d: {  	[sflag:s12] =	ssyncadd.s32 $0xFFFF8000  }
0x4e: {  	_ = 	snop  }
.LBB2_2:
.Ltmp5:
0x4f: {  	(pc) =	sbr.rel .LBB2_6-.Ltmp5, $2  }
0x50: {  	_ =	sdelay $0x2  }
0x51: {  	s18 =	smov.u32 s8  }
.LBB2_4:
.Ltmp6:
0x52: {  	(pc) =	sbr.rel .LBB2_6-.Ltmp6, $2  }
0x53: {  	_ =	sdelay $0x2  }
0x54: {  	s18 =	smov.u32 s8  }
.LBB2_7:
0x55: {  	_ =	sfence.sel $0x180000  }
0x56: {  	[bflag:$0x0] =	sbarrier.arrive $0xFFFF  }
0x57: {  	p0 =	sne.s32 s2, $0x0;
	_ =	strace $0x9000004A  }
0x58: {  	s0 =	sadd.s32 @!p0 $0x100000, s0;
	[bflag:$0x2] =	sbarrier.arrive $0xFFFF  }
0x59: {  	[sflag:s0] =	ssyncadd.tile.s32 @!p0 $0x1;
	_ =	shalt  }
.Lfunc_end2:
_tile_overlayer_lowered:
.L_overlay_start_2:
0x5a: {  	(tag) =	ssettag $0x2  }
0x5b: {  	s0 =	rddreg [dreg:$0x0];
	s2 =	stileid.u32  }
0x5c: {  	s1 =	rddreg [dreg:$0x1];
	p0 =	sne.s32 s2, $0x0  }
0x5d: {  	s3 =	rddreg [dreg:$0x2];
	[bflag:$0x3] =	sbarrier.arrive $0xFFFF;
	s2 =	simm.s32 @!p0 $0x1C02  }
0x5e: {  	[timem:s3], [sflag:s2] =	dma.local @!p0 [hbm:s0], s1  }
0x5f: {  	s0 =	simm.s32 @!p0 $0x2  }
0x60: {  	_ =	swait.ge @!p0 [sflag:s0], s1  }
0x61: {  	s1 =	ssub.s32 @!p0 $0x0, s1;
	[sflag:s0] =	ssyncset.done @!p0 $0x0  }
0x62: {  	[sflag:s0] =	ssyncadd.s32 @!p0 s1  }
0x63: {  	[bflag:$0x3] =	sbarrier.arrive $0xFFFF  }
0x64: {  	_ =	shalt  }

// kernel: kernel.16.cloned.1.call-start
scs
__scs_entry_jumppad:
0x0: {  	(pc) =	sbr.rel $0x88, $3  }
0x1: {  	(tag) =	ssettag $0x0;
	lr =	simm.s32 $0x1  }
0x2: {  	[smem:$0x3F92] =	sst lr;
	_ =	strace $0xD0000000  }
0x3: {  	_ = 	snop  }
0x4: {  	_ = 	snop  }
0x5: {  	_ = 	snop  }
0x6: {  	_ = 	snop  }
0x7: {  	_ = 	snop  }
__scs_overlays_trampoline_lowered:
0x8: {  	[smem:$0x3FA1] =	sst s0  }
0x9: {  	[smem:$0x3FA2] =	sst s1  }
0xa: {  	[smem:$0x3FA3] =	sst s2  }
0xb: {  	[smem:$0x3FA4] =	sst s3  }
0xc: {  	[smem:$0x3FA5] =	sst s4  }
0xd: {  	[smem:$0x3FA6] =	sst s5  }
0xe: {  	[smem:$0x3FA7] =	sst s6  }
0xf: {  	[smem:$0x3FA8] =	sst s7  }
0x10: {  	[smem:$0x3FA9] =	sst s8  }
0x11: {  	[smem:$0x3FAA] =	sst s9;
	s0 =	simm.s32 @!p0 $0x0  }
0x12: {  	s1 =	sld [smem:$0x3F90];
	s0 =	simm.s32 @p0 $0x1  }
0x13: {  	[smem:$0x3FAB] =	sst s0;
	s0 =	simm.s32 @!p1 $0x0  }
0x14: {  	s2 =	sld [smem:$0x3F8F];
	s0 =	simm.s32 @p1 $0x1  }
0x15: {  	[smem:$0x3FAC] =	sst s0;
	s0 =	simm.s32 @!p2 $0x0  }
0x16: {  	s3 =	sld [smem:$0x3FDB];
	s0 =	simm.s32 @p2 $0x1  }
0x17: {  	s4 =	simm.s32 $0x1BF5;
	[smem:$0x3FAE] =	sst s0  }
0x18: {  	s0 =	sld [smem:$0x3F91];
	_ =	swait.ge [sflag:s4], $0x0  }
0x19: {  	s7 =	sld [smem:$0x3F92]  }
0x1a: {  	s8 =	sadd.s32 $0xFFFFE003, lr  }
0x1b: {  	s9 =	sadd.s32 $0xFFFFFEF7, lr;
	s5 =	simm.s32 $0xFFFFFFFF;
	p2 =	slt.u32 s8, $0xFFFFF086  }
0x1c: {  	p1 =	slt.u32 s9, $0xF7A;
	s5 =	simm.s32 @!p2 $0x0  }
0x1d: {  	s5 =	simm.s32 @p1 $0x1;
	p0 =	seq.s32 s7, s2  }
0x1e: {  	s7 =	smul.u32 @!p0 $0xF7A, s2;
	p2 =	seq.s32 @!p0 s5, $0x0  }
0x1f: {  	s9 =	smul.u32 $0xF7A, s1;
	s8 =	simm.s32 @!p0 $0x1BF5;
	p2 =	por !p2, p0  }
0x20: {  	[sflag:s8] =	ssyncset.s32 @!p0 $0xFFFFF086;
	s6 =	sadd.s32 @!p0 s3, s7;
	s7 =	simm.s32 @!p0 $0x108  }
0x21: {  	s3 =	sadd.s32 s3, s9;
	s6 =	sadd.s32 @!p0 $0x88, s6;
	s7 =	simm.s32 @p2 $0x1082  }
0x22: {  	[simem:s7], [sflag:s8] =	dma.local @!p0 [hbm:s6], $0xF7A  }
0x23: {  	s9 =	sor.u32 $0xD0000000, s2;
	s6 =	simm.s32 $0x108;
	_ =	swait.ge @!p0 [sflag:s8], $0x0  }
0x24: {  	s3 =	sadd.s32 $0x88, s3;
	s6 =	simm.s32 @!p1 $0x1082;
	[sflag:s4] =	ssyncset.s32 $0xFFFFF086  }
0x25: {  	[simem:s6], [sflag:s4] =	dma.local [hbm:s3], $0xF7A  }
0x26: {  	[smem:$0x3F92] =	sst s1;
	(tag) =	ssettag s2;
	_ =	strace s9  }
0x27: {  	s1 =	sld [smem:$0x3FA2]  }
0x28: {  	s2 =	sld [smem:$0x3FA3]  }
0x29: {  	s4 =	sld [smem:$0x3FA5]  }
0x2a: {  	p0 =	seq.s32 s5, $0x0;
	s5 =	sld [smem:$0x3FA6]  }
0x2b: {  	s6 =	sld [smem:$0x3FA7]  }
0x2c: {  	s7 =	sld [smem:$0x3FA8]  }
0x2d: {  	s3 =	simm.s32 $0x108;
	s8 =	sld [smem:$0x3FA9]  }
0x2e: {  	s3 =	simm.s32 @!p0 $0x1082;
	s9 =	sld [smem:$0x3FAA]  }
0x2f: {  	lr =	sadd.s32 s0, s3;
	s0 =	sld [smem:$0x3FA1]  }
0x30: {  	s3 =	sld [smem:$0x3FA4]  }
0x31: {  	[smem:$0x3FAD] =	sst s10  }
0x32: {  	s10 =	sld [smem:$0x3FAB];
	_ =	sdelay $0x3  }
0x33: {  	p0 =	seq.s32 s10, $0x1;
	s10 =	sld [smem:$0x3FAD];
	_ =	sdelay $0x3  }
0x34: {  	[smem:$0x3FAD] =	sst s10  }
0x35: {  	s10 =	sld [smem:$0x3FAC];
	_ =	sdelay $0x3  }
0x36: {  	p1 =	seq.s32 s10, $0x1;
	s10 =	sld [smem:$0x3FAD];
	_ =	sdelay $0x3  }
0x37: {  	[smem:$0x3FAD] =	sst s10  }
0x38: {  	s10 =	sld [smem:$0x3FAE]  }
0x39: {  	_ = 	snop;
	(pc) =	sbr.ind lr, $3  }
0x3a: {  	_ = 	snop  }
0x3b: {  	_ = 	snop  }
0x3c: {  	p2 =	seq.s32 s10, $0x1;
	s10 =	sld [smem:$0x3FAD]  }
0x3d: {  	_ =	shalt  }
0x3e: {  	_ =	shalt  }
0x3f: {  	_ =	shalt  }
0x40: {  	_ =	shalt  }
0x41: {  	_ =	shalt  }
0x42: {  	_ =	shalt  }
0x43: {  	_ =	shalt  }
0x44: {  	_ =	shalt  }
0x45: {  	_ =	shalt  }
0x46: {  	_ =	shalt  }
0x47: {  	_ =	shalt  }
0x48: {  	_ =	shalt  }
0x49: {  	_ =	shalt  }
0x4a: {  	_ =	shalt  }
0x4b: {  	_ =	shalt  }
0x4c: {  	_ =	shalt  }
0x4d: {  	_ =	shalt  }
0x4e: {  	_ =	shalt  }
0x4f: {  	_ =	shalt  }
0x50: {  	_ =	shalt  }
0x51: {  	_ =	shalt  }
0x52: {  	_ =	shalt  }
0x53: {  	_ =	shalt  }
0x54: {  	_ =	shalt  }
0x55: {  	_ =	shalt  }
0x56: {  	_ =	shalt  }
0x57: {  	_ =	shalt  }
0x58: {  	_ =	shalt  }
0x59: {  	_ =	shalt  }
0x5a: {  	_ =	shalt  }
0x5b: {  	_ =	shalt  }
0x5c: {  	_ =	shalt  }
0x5d: {  	_ =	shalt  }
0x5e: {  	_ =	shalt  }
0x5f: {  	_ =	shalt  }
0x60: {  	_ =	shalt  }
0x61: {  	_ =	shalt  }
0x62: {  	_ =	shalt  }
0x63: {  	_ =	shalt  }
0x64: {  	_ =	shalt  }
0x65: {  	_ =	shalt  }
0x66: {  	_ =	shalt  }
0x67: {  	_ =	shalt  }
0x68: {  	_ =	shalt  }
0x69: {  	_ =	shalt  }
0x6a: {  	_ =	shalt  }
0x6b: {  	_ =	shalt  }
0x6c: {  	_ =	shalt  }
0x6d: {  	_ =	shalt  }
0x6e: {  	_ =	shalt  }
0x6f: {  	_ =	shalt  }
0x70: {  	_ =	shalt  }
0x71: {  	_ =	shalt  }
0x72: {  	_ =	shalt  }
0x73: {  	_ =	shalt  }
0x74: {  	_ =	shalt  }
0x75: {  	_ =	shalt  }
0x76: {  	_ =	shalt  }
0x77: {  	_ =	shalt  }
0x78: {  	_ =	shalt  }
0x79: {  	_ =	shalt  }
0x7a: {  	_ =	shalt  }
0x7b: {  	_ =	shalt  }
0x7c: {  	_ =	shalt  }
0x7d: {  	_ =	shalt  }
0x7e: {  	_ =	shalt  }
0x7f: {  	_ =	shalt  }
0x80: {  	_ =	shalt  }
0x81: {  	_ =	shalt  }
0x82: {  	_ =	shalt  }
0x83: {  	_ =	shalt  }
0x84: {  	_ =	shalt  }
0x85: {  	_ =	shalt  }
0x86: {  	_ =	shalt  }
0x87: {  	_ =	shalt  }
.Lfunc_end0:
.L_simem_size_0:
called_computation.1_lowered:
.L_overlay_start_0:
0x88: {  	s2 =	sld [smem:$0x3FD9]  }
0x89: {  	s3 =	sld [smem:$0x3FFE];
	_ =	sdelay $0x1  }
0x8a: {  	s1 =	srdreg.scid  }
0x8b: {  	s0 =	sand.u32 $0x1, s1  }
0x8c: {  	s17 =	sshll.u32 s0, $0xA;
	s2 =	sadd.s32 s3, s2  }
0x8d: {  	s2 =	sadd.s32 s2, s17  }
0x8e: {  	[smem:$0x3FB9] =	sst s2  }
0x8f: {  	_ = 	snop  }
0x90: {  	s2 =	sld [smem:$0x3FD0];
	(tm) =	ssettm $0x1  }
0x91: {  	s18 =	sld [smem:$0x3FFB];
	_ =	sdelay $0x3  }
0x92: {  	_ =	strace s18  }
0x93: {  	s3 =	sld [smem:$0x3FFC];
	_ =	sdelay $0x3  }
0x94: {  	_ =	strace s3  }
0x95: {  	s3 =	sld [smem:$0x3FFD];
	_ =	sdelay $0x3  }
0x96: {  	_ =	strace s3  }
0x97: {  	_ =	strace $0x8FFFFFFF  }
0x98: {  	s19 =	sld [smem:$0x3FDB];
	_ =	sdelay $0x1  }
0x99: {  	s4 =	simm.s32 $_scs_section_size  }
0x9a: {  	s5 =	simm.s32 $_size__tile_overlayer_lowered;
	s6 =	simm.s32 $_tile_overlayer_lowered  }
0x9b: {  	s22 =	simm.s32 $0x1BFF;
	s21 =	sshll.u32 s6, $0x1;
	s3 =	sadd.s32 s4, s19  }
0x9c: {  	s7 =	simm.s32 $0x0;
	s20 =	sshll.u32 s5, $0x1;
	s5 =	sadd.s32 s21, s3  }
0x9d: {  	[timem:s7], [sflag:s22] =	dma.local [hbm:s5], s20  }
0x9e: {  	_ =	swait.ge [sflag:s22], s20  }
0x9f: {  	s4 =	ssub.s32 $0x0, s20;
	[sflag:s22] =	ssyncset.done $0x0  }
0xa0: {  	[sflag:s22] =	ssyncadd.s32 s4;
	_ =	sdelay $0x1  }
0xa1: {  	s23 =	simm.s32 $0x1B8B  }
0xa2: {  	_ =	swait.ge [sflag:s23], $0x1  }
0xa3: {  	[sflag:s23] =	ssyncset.done $0x0  }
0xa4: {  	s25 =	simm.s32 $0x1B8E;
	s24 =	sld [smem:$0x3FFE];
	[sflag:s23] =	ssyncadd.s32 $0xFFFFFFFF  }
0xa5: {  	s26 =	simm.s32 $execute0_lowered;
	[smem:$0x3FD2] =	sst s25  }
0xa6: {  	s5 =	sshll.u32 s26, $0x1;
	_ =	strace $0x80000046;
	[dreg:$0x1] =	wrdreg $0xFFFFFFFF  }
0xa7: {  	s28 =	simm.s32 $_size_execute0_lowered;
	s3 =	sadd.s32 s3, s5;
	[dreg:$0x0] =	wrdreg $0x0  }
0xa8: {  	s5 =	sshll.u32 s28, $0x1;
	[dreg:$0x2] =	wrdreg s3  }
0xa9: {  	[dreg:$0x3] =	wrdreg s5  }
0xaa: {  	[dreg:$0x4] =	wrdreg $0xC0  }
0xab: {  	_ =	task [dreg:s7], $0x5FFFF  }
0xac: {  	[dreg:$0x1] =	wrdreg $0xFFFFFFFF  }
0xad: {  	[dreg:$0x0] =	wrdreg $0x60  }
0xae: {  	[dreg:$0x2] =	wrdreg s2  }
0xaf: {  	[dreg:$0x3] =	wrdreg s24  }
0xb0: {  	[dreg:$0x4] =	wrdreg $0x81000  }
0xb1: {  	[dreg:$0x5] =	wrdreg $0xA  }
0xb2: {  	_ =	task.clear_ibuf [dreg:s7], $0x6FFFF;
	_ =	strace $0x90000046  }
0xb3: {  	s29 =	simm.s32 $0xA;
	_ =	strace $0x80000048  }
0xb4: {  	_ =	swait.ge [sflag:s29], $0x1  }
0xb5: {  	[sflag:s29] =	ssyncadd.s32 $0xFFFFFFFF  }
0xb6: {  	_ =	strace $0x90000048  }
0xb7: {  	_ =	sfence  }
0xb8: {  	s30 =	sld [smem:$0x0];
	_ =	sdelay $0x2  }
0xb9: {  	s31 =	sshll.u32 s1, $0xD;
	s1 =	sshrl.u32 s1, $0x2  }
0xba: {  	s3 =	sand.u32 $0x4000, s31;
	s1 =	sadd.s32 s1, s30  }
0xbb: {  	s0 =	sor.u32 s3, s0;
	s1 =	sshll.u32 s1, $0x11  }
0xbc: {  	s0 =	sor.u32 s1, s0  }
0xbd: {  	s0 =	sadd.s32 $0x8F2B, s0  }
0xbe: {  	[sflag:s0] =	ssyncadd.remote.s32 $0x1  }
0xbf: {  	_ =	sfence.sel $0xFFFF  }
0xc0: {  	[dreg:$0x0] =	wrdreg $0xFFFFFFFF;
	(pc) =	sbr.abs _section_cstart, $3  }
0xc1: {  	[dreg:$0x1] =	wrdreg $0xFFFFFFFF  }
0xc2: {  	_ =	task.clear_ibuf [dreg:s7], $0x2FFFF;
	_ =	strace $0x9FFFFFFF  }
0xc3: {  	(tm) =	ssettm $0x7FFFFFFF  }
tec
execute0_lowered:
.L_overlay_start_1:
0x0: {  	(tag) =	ssettag $0x1  }
0x1: {  	s5 =	rddreg [dreg:$0x0]  }
0x2: {  	s6 =	rddreg [dreg:$0x1]  }
0x3: {  	s1 =	rddreg [dreg:$0x2]  }
0x4: {  	s0 =	rddreg [dreg:$0x3];
	s3 =	simm.s32 $0x0;
	s2 =	stileid.u32  }
0x5: {  	s4 =	srdreg.scid;
	s13 =	simm.s32 $0x80;
	s14 =	simm.s32 $0x100  }
0x6: {  	s15 =	simm.s32 $0x4100;
	s16 =	simm.s32 $0x1;
	s17 =	simm.s32 $0x0  }
0x7: {  	[smem:$0x7FF] =	sst s3;
	s7 =	sshll.u32 s2, $0xD;
	s8 =	smul.u32 $0x7D000, s2  }
0x8: {  	s9 =	sand.u32 $0x1, s4;
	s4 =	sadd.s32 $0xD000, s6;
	s11 =	smul.u32 $0x3E80, s2  }
0x9: {  	s28 =	sshll.u32 s2, $0x1;
	p0 =	sgt.u32 s2, $0x9;
	s31 =	sshll.u32 s2, $0x9  }
0xa: {  	_ =	strace $0x80000047;
	s7 =	sadd.s32 s7, s6;
	s26 =	ssub.s32 $0x2, s9  }
0xb: {  	s29 =	sor.u32 s28, s9;
	s30 =	sshll.u32 s9, $0xC;
	s9 =	sshll.u32 s9, $0x8  }
0xc: {  	s10 =	sshrl.u32 s26, $0x1;
	s8 =	sshrl.u32 s8, $0x2;
	s5 =	sadd.s32 s5, s11  }
0xd: {  	s11 =	sshll.u32 @!p0 s2, $0x6;
	s9 =	sor.u32 s9, s31;
	s6 =	ssub.s32 s26, s10  }
0xe: {  	s12 =	sadd.s32 s8, s1;
	s8 =	ssub.s32 $0x290, s29;
	s10 =	sadd.s32 s30, s7  }
0xf: {  	s6 =	smax.u32 s6, $0x1;
	s7 =	sshrl.u32 s8, $0x5;
	s8 =	sadd.s32 $0x12000, s10  }
0x10: {  	s10 =	sor.u32 @!p0 $0x1C02, s11;
	s11 =	sshrl.u32 @!p0 s12, $0x3;
	s12 =	simm.s32 $0x2  }
.LBB2_1:
0x11: {  	[spmem:s11], [sflag:s10] =	dma.local @!p0 [hbm:s5], $0x3E80  }
0x12: {  	s18 =	simm.s32 @!p0 $0x2;
	p2 =	sne.s32 s7, $0x1  }
.Ltmp0:
0x13: {  	_ =	swait.ge @!p0 [sflag:s18], $0x3E80;
	(pc) =	sbr.rel @!p2 .LBB2_2-.Ltmp0, $4  }
0x14: {  	[sflag:s18] =	ssyncset.done @!p0 $0x0  }
0x15: {  	[sflag:s18] =	ssyncadd.s32 @!p0 $0xFFFFC180  }
0x16: {  	[bflag:$0x0] =	sbarrier.arrive $0xFFFF  }
0x17: {  	s21 =	sshrl.u32 s9, $0x3;
	p1 =	por $0x0, $0x0;
	s18 =	sadd.s32 $0xFFFFFFFF, s7  }
0x18: {  	s19 =	sadd.s32 s4, s21  }
0x19: {  	[tilespmem:s3], [sflag:$0x2] =	stream.linear.gather [hbm4b:s19+s3], $0x100, $0x38;
	[tilespmem:$0x1B980] =	vst v63  }
0x1a: {  	_ =	swait.ge [sflag:s12], $0x100  }
0x1b: {  	[sflag:s12] =	ssyncset.done $0x0  }
0x1c: {  	[sflag:s12] =	ssyncadd.s32 $0xFFFFFF00  }
0x1d: {  	[tilespmem:s14], [sflag:$0x1] =	stream.indirect.gather [spmem:s1], $0x80, s3, s13, $0xb8;
	[tilespmem:$0x1B980] =	vst v63  }
0x1e: {  	_ = 	snop  }
0x1f: {  	[tilespmem:s15], [sflag:$0x1] =	stream.indirect.gather [spmem:s1], $0x80, s13, s13, $0xb8;
	[tilespmem:$0x1B980] =	vst v63  }
0x20: {  	_ =	swait.ge [sflag:s16], $0x4000  }
0x21: {  	[sflag:s16] =	ssyncset.done $0x0  }
0x22: {  	[sflag:s16] =	ssyncadd.s32 $0xFFFFC000  }
0x23: {  	p2 =	sne.s32 s18, $0x1;
	_ =	swait.ge [sflag:s16], $0x4000  }
.Ltmp1:
0x24: {  	[sflag:s16] =	ssyncset.done $0x0;
	(pc) =	sbr.rel @!p2 .LBB2_4-.Ltmp1, $4  }
0x25: {  	s20 =	sadd.s32 $0x2000, s9;
	[sflag:s16] =	ssyncadd.s32 $0xFFFFC000  }
0x26: {  	[hbm4b:s8+s3] =	stream.linear.scatter [tilespmem:s14], [sflag:$0x2], $0x8000, $0x38;
	[tilespmem:$0x1B980] =	vst v63  }
0x27: {  	p1 =	por $0x1, $0x1;
	s19 =	sadd.s32 $0xFFFFFFFF, s18;
	_ =	swait.ge [sflag:s12], $0x8000  }
0x28: {  	s21 =	sshrl.u32 s20, $0x3;
	s18 =	smov.u32 s8;
	[sflag:s12] =	ssyncset.done $0x0  }
.LBB2_5:
0x29: {  	s21 =	sadd.s32 s4, s21;
	[sflag:s12] =	ssyncadd.s32 $0xFFFF8000;
	s18 =	sadd.s32 $0x20000, s18  }
0x2a: {  	[tilespmem:s3], [sflag:$0x2] =	stream.linear.gather [hbm4b:s21+s3], $0x100, $0x38;
	[tilespmem:$0x1B980] =	vst v63  }
0x2b: {  	p2 =	sne.s32 s19, $0x1;
	s19 =	sadd.s32 $0xFFFFFFFF, s19;
	_ =	swait.ge [sflag:s12], $0x100  }
0x2c: {  	[sflag:s12] =	ssyncset.done $0x0  }
0x2d: {  	[sflag:s12] =	ssyncadd.s32 $0xFFFFFF00  }
0x2e: {  	[tilespmem:s14], [sflag:$0x1] =	stream.indirect.gather [spmem:s1], $0x80, s3, s13, $0xb8;
	[tilespmem:$0x1B980] =	vst v63  }
0x2f: {  	_ = 	snop  }
0x30: {  	[tilespmem:s15], [sflag:$0x1] =	stream.indirect.gather [spmem:s1], $0x80, s13, s13, $0xb8;
	[tilespmem:$0x1B980] =	vst v63  }
0x31: {  	_ =	swait.ge [sflag:s16], $0x4000  }
0x32: {  	[sflag:s16] =	ssyncset.done $0x0  }
0x33: {  	[sflag:s16] =	ssyncadd.s32 $0xFFFFC000  }
0x34: {  	_ =	swait.ge [sflag:s16], $0x4000  }
.Ltmp2:
0x35: {  	[sflag:s16] =	ssyncset.done $0x0;
	(pc) =	sbr.rel @p2 .LBB2_5-.Ltmp2, $4  }
0x36: {  	[sflag:s16] =	ssyncadd.s32 $0xFFFFC000  }
0x37: {  	[hbm4b:s18+s3] =	stream.linear.scatter [tilespmem:s14], [sflag:$0x2], $0x8000, $0x38;
	[tilespmem:$0x1B980] =	vst v63  }
0x38: {  	s20 =	sadd.s32 $0x2000, s20;
	_ =	swait.ge [sflag:s12], $0x8000  }
0x39: {  	s21 =	sshrl.u32 s20, $0x3;
	[sflag:s12] =	ssyncset.done $0x0  }
.LBB2_6:
0x3a: {  	s19 =	sadd.s32 s4, s21;
	[sflag:s12] =	ssyncadd.s32 @p1 $0xFFFF8000  }
0x3b: {  	[tilespmem:s3], [sflag:$0x2] =	stream.linear.gather [hbm4b:s19+s3], $0x100, $0x38;
	[tilespmem:$0x1B980] =	vst v63  }
0x3c: {  	_ =	swait.ge [sflag:s12], $0x100  }
0x3d: {  	[sflag:s12] =	ssyncset.done $0x0  }
0x3e: {  	[sflag:s12] =	ssyncadd.s32 $0xFFFFFF00  }
0x3f: {  	[tilespmem:s14], [sflag:$0x1] =	stream.indirect.gather [spmem:s1], $0x80, s3, s13, $0xb8;
	[tilespmem:$0x1B980] =	vst v63  }
0x40: {  	_ = 	snop  }
0x41: {  	[tilespmem:s15], [sflag:$0x1] =	stream.indirect.gather [spmem:s1], $0x80, s13, s13, $0xb8;
	[tilespmem:$0x1B980] =	vst v63  }
0x42: {  	_ =	swait.ge [sflag:s16], $0x4000  }
0x43: {  	[sflag:s16] =	ssyncset.done $0x0  }
0x44: {  	[sflag:s16] =	ssyncadd.s32 $0xFFFFC000  }
0x45: {  	s18 =	sadd.s32 @p1 $0x20000, s18;
	_ =	swait.ge [sflag:s16], $0x4000  }
0x46: {  	s17 =	sadd.s32 $0x1, s17;
	s19 =	smov.u32 s8;
	[sflag:s16] =	ssyncset.done $0x0  }
0x47: {  	s19 =	smov.u32 @p1 s18;
	p1 =	sne.s32 s17, s6;
	[sflag:s16] =	ssyncadd.s32 $0xFFFFC000  }
0x48: {  	[hbm4b:s19+s3] =	stream.linear.scatter [tilespmem:s14], [sflag:$0x2], $0x8000, $0x38;
	[tilespmem:$0x1B980] =	vst v63  }
.Ltmp3:
0x49: {  	_ = 	snop;
	(pc) =	sbr.rel @p1 .LBB2_1-.Ltmp3, $4  }
.Ltmp4:
0x4a: {  	_ = 	snop;
	(pc) =	sbr.rel @!p1 .LBB2_7-.Ltmp4, $4  }
0x4b: {  	_ =	swait.ge [sflag:s12], $0x8000  }
0x4c: {  	[sflag:s12] =	ssyncset.done $0x0  }
0x4d: {  	[sflag:s12] =	ssyncadd.s32 $0xFFFF8000  }
0x4e: {  	_ = 	snop  }
.LBB2_2:
.Ltmp5:
0x4f: {  	(pc) =	sbr.rel .LBB2_6-.Ltmp5, $2  }
0x50: {  	_ =	sdelay $0x2  }
0x51: {  	s18 =	smov.u32 s8  }
.LBB2_4:
.Ltmp6:
0x52: {  	(pc) =	sbr.rel .LBB2_6-.Ltmp6, $2  }
0x53: {  	_ =	sdelay $0x2  }
0x54: {  	s18 =	smov.u32 s8  }
.LBB2_7:
0x55: {  	_ =	sfence.sel $0x180000  }
0x56: {  	[bflag:$0x0] =	sbarrier.arrive $0xFFFF  }
0x57: {  	p0 =	sne.s32 s2, $0x0;
	_ =	strace $0x90000047  }
0x58: {  	s0 =	sadd.s32 @!p0 $0x100000, s0;
	[bflag:$0x2] =	sbarrier.arrive $0xFFFF  }
0x59: {  	[sflag:s0] =	ssyncadd.tile.s32 @!p0 $0x1;
	_ =	shalt  }
.Lfunc_end2:
_tile_overlayer_lowered:
.L_overlay_start_2:
0x5a: {  	(tag) =	ssettag $0x2  }
0x5b: {  	s0 =	rddreg [dreg:$0x0];
	s2 =	stileid.u32  }
0x5c: {  	s1 =	rddreg [dreg:$0x1];
	p0 =	sne.s32 s2, $0x0  }
0x5d: {  	s3 =	rddreg [dreg:$0x2];
	[bflag:$0x3] =	sbarrier.arrive $0xFFFF;
	s2 =	simm.s32 @!p0 $0x1C02  }
0x5e: {  	[timem:s3], [sflag:s2] =	dma.local @!p0 [hbm:s0], s1  }
0x5f: {  	s0 =	simm.s32 @!p0 $0x2  }
0x60: {  	_ =	swait.ge @!p0 [sflag:s0], s1  }
0x61: {  	s1 =	ssub.s32 @!p0 $0x0, s1;
	[sflag:s0] =	ssyncset.done @!p0 $0x0  }
0x62: {  	[sflag:s0] =	ssyncadd.s32 @!p0 s1  }
0x63: {  	[bflag:$0x3] =	sbarrier.arrive $0xFFFF  }
0x64: {  	_ =	shalt  }

// kernel: kernel.19.cloned.1.call-start
scs
__scs_entry_jumppad:
0x0: {  	(pc) =	sbr.rel $0x88, $3  }
0x1: {  	(tag) =	ssettag $0x0;
	lr =	simm.s32 $0x1  }
0x2: {  	[smem:$0x3F92] =	sst lr;
	_ =	strace $0xD0000000  }
0x3: {  	_ = 	snop  }
0x4: {  	_ = 	snop  }
0x5: {  	_ = 	snop  }
0x6: {  	_ = 	snop  }
0x7: {  	_ = 	snop  }
__scs_overlays_trampoline_lowered:
0x8: {  	[smem:$0x3FA1] =	sst s0  }
0x9: {  	[smem:$0x3FA2] =	sst s1  }
0xa: {  	[smem:$0x3FA3] =	sst s2  }
0xb: {  	[smem:$0x3FA4] =	sst s3  }
0xc: {  	[smem:$0x3FA5] =	sst s4  }
0xd: {  	[smem:$0x3FA6] =	sst s5  }
0xe: {  	[smem:$0x3FA7] =	sst s6  }
0xf: {  	[smem:$0x3FA8] =	sst s7  }
0x10: {  	[smem:$0x3FA9] =	sst s8  }
0x11: {  	[smem:$0x3FAA] =	sst s9;
	s0 =	simm.s32 @!p0 $0x0  }
0x12: {  	s1 =	sld [smem:$0x3F90];
	s0 =	simm.s32 @p0 $0x1  }
0x13: {  	[smem:$0x3FAB] =	sst s0;
	s0 =	simm.s32 @!p1 $0x0  }
0x14: {  	s2 =	sld [smem:$0x3F8F];
	s0 =	simm.s32 @p1 $0x1  }
0x15: {  	[smem:$0x3FAC] =	sst s0;
	s0 =	simm.s32 @!p2 $0x0  }
0x16: {  	s3 =	sld [smem:$0x3FDB];
	s0 =	simm.s32 @p2 $0x1  }
0x17: {  	s4 =	simm.s32 $0x1BF5;
	[smem:$0x3FAE] =	sst s0  }
0x18: {  	s0 =	sld [smem:$0x3F91];
	_ =	swait.ge [sflag:s4], $0x0  }
0x19: {  	s7 =	sld [smem:$0x3F92]  }
0x1a: {  	s8 =	sadd.s32 $0xFFFFE003, lr  }
0x1b: {  	s9 =	sadd.s32 $0xFFFFFEF7, lr;
	s5 =	simm.s32 $0xFFFFFFFF;
	p2 =	slt.u32 s8, $0xFFFFF086  }
0x1c: {  	p1 =	slt.u32 s9, $0xF7A;
	s5 =	simm.s32 @!p2 $0x0  }
0x1d: {  	s5 =	simm.s32 @p1 $0x1;
	p0 =	seq.s32 s7, s2  }
0x1e: {  	s7 =	smul.u32 @!p0 $0xF7A, s2;
	p2 =	seq.s32 @!p0 s5, $0x0  }
0x1f: {  	s9 =	smul.u32 $0xF7A, s1;
	s8 =	simm.s32 @!p0 $0x1BF5;
	p2 =	por !p2, p0  }
0x20: {  	[sflag:s8] =	ssyncset.s32 @!p0 $0xFFFFF086;
	s6 =	sadd.s32 @!p0 s3, s7;
	s7 =	simm.s32 @!p0 $0x108  }
0x21: {  	s3 =	sadd.s32 s3, s9;
	s6 =	sadd.s32 @!p0 $0x88, s6;
	s7 =	simm.s32 @p2 $0x1082  }
0x22: {  	[simem:s7], [sflag:s8] =	dma.local @!p0 [hbm:s6], $0xF7A  }
0x23: {  	s9 =	sor.u32 $0xD0000000, s2;
	s6 =	simm.s32 $0x108;
	_ =	swait.ge @!p0 [sflag:s8], $0x0  }
0x24: {  	s3 =	sadd.s32 $0x88, s3;
	s6 =	simm.s32 @!p1 $0x1082;
	[sflag:s4] =	ssyncset.s32 $0xFFFFF086  }
0x25: {  	[simem:s6], [sflag:s4] =	dma.local [hbm:s3], $0xF7A  }
0x26: {  	[smem:$0x3F92] =	sst s1;
	(tag) =	ssettag s2;
	_ =	strace s9  }
0x27: {  	s1 =	sld [smem:$0x3FA2]  }
0x28: {  	s2 =	sld [smem:$0x3FA3]  }
0x29: {  	s4 =	sld [smem:$0x3FA5]  }
0x2a: {  	p0 =	seq.s32 s5, $0x0;
	s5 =	sld [smem:$0x3FA6]  }
0x2b: {  	s6 =	sld [smem:$0x3FA7]  }
0x2c: {  	s7 =	sld [smem:$0x3FA8]  }
0x2d: {  	s3 =	simm.s32 $0x108;
	s8 =	sld [smem:$0x3FA9]  }
0x2e: {  	s3 =	simm.s32 @!p0 $0x1082;
	s9 =	sld [smem:$0x3FAA]  }
0x2f: {  	lr =	sadd.s32 s0, s3;
	s0 =	sld [smem:$0x3FA1]  }
0x30: {  	s3 =	sld [smem:$0x3FA4]  }
0x31: {  	[smem:$0x3FAD] =	sst s10  }
0x32: {  	s10 =	sld [smem:$0x3FAB];
	_ =	sdelay $0x3  }
0x33: {  	p0 =	seq.s32 s10, $0x1;
	s10 =	sld [smem:$0x3FAD];
	_ =	sdelay $0x3  }
0x34: {  	[smem:$0x3FAD] =	sst s10  }
0x35: {  	s10 =	sld [smem:$0x3FAC];
	_ =	sdelay $0x3  }
0x36: {  	p1 =	seq.s32 s10, $0x1;
	s10 =	sld [smem:$0x3FAD];
	_ =	sdelay $0x3  }
0x37: {  	[smem:$0x3FAD] =	sst s10  }
0x38: {  	s10 =	sld [smem:$0x3FAE]  }
0x39: {  	_ = 	snop;
	(pc) =	sbr.ind lr, $3  }
0x3a: {  	_ = 	snop  }
0x3b: {  	_ = 	snop  }
0x3c: {  	p2 =	seq.s32 s10, $0x1;
	s10 =	sld [smem:$0x3FAD]  }
0x3d: {  	_ =	shalt  }
0x3e: {  	_ =	shalt  }
0x3f: {  	_ =	shalt  }
0x40: {  	_ =	shalt  }
0x41: {  	_ =	shalt  }
0x42: {  	_ =	shalt  }
0x43: {  	_ =	shalt  }
0x44: {  	_ =	shalt  }
0x45: {  	_ =	shalt  }
0x46: {  	_ =	shalt  }
0x47: {  	_ =	shalt  }
0x48: {  	_ =	shalt  }
0x49: {  	_ =	shalt  }
0x4a: {  	_ =	shalt  }
0x4b: {  	_ =	shalt  }
0x4c: {  	_ =	shalt  }
0x4d: {  	_ =	shalt  }
0x4e: {  	_ =	shalt  }
0x4f: {  	_ =	shalt  }
0x50: {  	_ =	shalt  }
0x51: {  	_ =	shalt  }
0x52: {  	_ =	shalt  }
0x53: {  	_ =	shalt  }
0x54: {  	_ =	shalt  }
0x55: {  	_ =	shalt  }
0x56: {  	_ =	shalt  }
0x57: {  	_ =	shalt  }
0x58: {  	_ =	shalt  }
0x59: {  	_ =	shalt  }
0x5a: {  	_ =	shalt  }
0x5b: {  	_ =	shalt  }
0x5c: {  	_ =	shalt  }
0x5d: {  	_ =	shalt  }
0x5e: {  	_ =	shalt  }
0x5f: {  	_ =	shalt  }
0x60: {  	_ =	shalt  }
0x61: {  	_ =	shalt  }
0x62: {  	_ =	shalt  }
0x63: {  	_ =	shalt  }
0x64: {  	_ =	shalt  }
0x65: {  	_ =	shalt  }
0x66: {  	_ =	shalt  }
0x67: {  	_ =	shalt  }
0x68: {  	_ =	shalt  }
0x69: {  	_ =	shalt  }
0x6a: {  	_ =	shalt  }
0x6b: {  	_ =	shalt  }
0x6c: {  	_ =	shalt  }
0x6d: {  	_ =	shalt  }
0x6e: {  	_ =	shalt  }
0x6f: {  	_ =	shalt  }
0x70: {  	_ =	shalt  }
0x71: {  	_ =	shalt  }
0x72: {  	_ =	shalt  }
0x73: {  	_ =	shalt  }
0x74: {  	_ =	shalt  }
0x75: {  	_ =	shalt  }
0x76: {  	_ =	shalt  }
0x77: {  	_ =	shalt  }
0x78: {  	_ =	shalt  }
0x79: {  	_ =	shalt  }
0x7a: {  	_ =	shalt  }
0x7b: {  	_ =	shalt  }
0x7c: {  	_ =	shalt  }
0x7d: {  	_ =	shalt  }
0x7e: {  	_ =	shalt  }
0x7f: {  	_ =	shalt  }
0x80: {  	_ =	shalt  }
0x81: {  	_ =	shalt  }
0x82: {  	_ =	shalt  }
0x83: {  	_ =	shalt  }
0x84: {  	_ =	shalt  }
0x85: {  	_ =	shalt  }
0x86: {  	_ =	shalt  }
0x87: {  	_ =	shalt  }
.Lfunc_end0:
.L_simem_size_0:
called_computation.2_lowered:
.L_overlay_start_0:
0x88: {  	s2 =	sld [smem:$0x3FD9]  }
0x89: {  	s3 =	sld [smem:$0x3FFE];
	_ =	sdelay $0x1  }
0x8a: {  	s1 =	srdreg.scid  }
0x8b: {  	s0 =	sand.u32 $0x1, s1  }
0x8c: {  	s17 =	sshll.u32 s0, $0xA;
	s2 =	sadd.s32 s3, s2  }
0x8d: {  	s2 =	sadd.s32 s2, s17  }
0x8e: {  	[smem:$0x3FB9] =	sst s2  }
0x8f: {  	_ = 	snop  }
0x90: {  	s18 =	sld [smem:$0x3FD0];
	(tm) =	ssettm $0x1  }
0x91: {  	s19 =	sld [smem:$0x3FFB];
	_ =	sdelay $0x3  }
0x92: {  	_ =	strace s19  }
0x93: {  	s2 =	sld [smem:$0x3FFC];
	_ =	sdelay $0x3  }
0x94: {  	_ =	strace s2  }
0x95: {  	s2 =	sld [smem:$0x3FFD];
	_ =	sdelay $0x3  }
0x96: {  	_ =	strace s2  }
0x97: {  	_ =	strace $0x8FFFFFFF  }
0x98: {  	s20 =	sld [smem:$0x3FDB];
	_ =	sdelay $0x1  }
0x99: {  	s4 =	simm.s32 $_scs_section_size  }
0x9a: {  	s5 =	simm.s32 $_size__tile_overlayer_lowered;
	s6 =	simm.s32 $_tile_overlayer_lowered  }
0x9b: {  	s7 =	simm.s32 $0x1BFF;
	s21 =	sshll.u32 s6, $0x1;
	s4 =	sadd.s32 s4, s20  }
0x9c: {  	s22 =	simm.s32 $0x0;
	s5 =	sshll.u32 s5, $0x1;
	s6 =	sadd.s32 s21, s4  }
0x9d: {  	[timem:s22], [sflag:s7] =	dma.local [hbm:s6], s5  }
0x9e: {  	_ =	swait.ge [sflag:s7], s5  }
0x9f: {  	s5 =	ssub.s32 $0x0, s5;
	[sflag:s7] =	ssyncset.done $0x0  }
0xa0: {  	[sflag:s7] =	ssyncadd.s32 s5;
	_ =	sdelay $0x1  }
0xa1: {  	s23 =	simm.s32 $0x1B8B  }
0xa2: {  	_ =	swait.ge [sflag:s23], $0x1  }
0xa3: {  	[sflag:s23] =	ssyncset.done $0x0  }
0xa4: {  	[sflag:s23] =	ssyncadd.s32 $0xFFFFFFFF  }
0xa5: {  	s5 =	sld [smem:$0x0]  }
0xa6: {  	s6 =	sand.u32 $0xFFFFFFFE, s1  }
0xa7: {  	p0 =	sne.s32 s1, s6  }
0xa8: {  	s6 =	sshll.u32 @p0 s6, $0xE  }
0xa9: {  	s6 =	sadd.s32 @p0 $0x11B8D, s6;
	s7 =	sshll.u32 @p0 s5, $0x11  }
0xaa: {  	s6 =	sor.u32 @p0 s7, s6  }
0xab: {  	[sflag:s6] =	ssyncadd.remote.s32 @p0 $0x1;
	_ =	sdelay $0x1  }
0xac: {  	s6 =	simm.s32 @p0 $0x1B8D  }
0xad: {  	_ =	swait.eq @p0 [sflag:s6], $0x1  }
0xae: {  	[sflag:s6] =	ssyncadd.s32 @p0 $0xFFFFFFFF  }
0xaf: {  	s7 =	sshll.u32 @!p0 s1, $0xE  }
0xb0: {  	s7 =	sor.u32 @!p0 $0x4000, s7;
	s6 =	simm.s32 @!p0 $0x1B8D  }
0xb1: {  	s5 =	sshll.u32 @!p0 s5, $0x11;
	s7 =	sadd.s32 @!p0 $0x11B8D, s7;
	_ =	swait.eq @!p0 [sflag:s6], $0x1  }
0xb2: {  	s5 =	sor.u32 @!p0 s5, s7;
	[sflag:s6] =	ssyncadd.s32 @!p0 $0xFFFFFFFF  }
0xb3: {  	s25 =	simm.s32 $0x1B8E;
	s24 =	sld [smem:$0x3FFE];
	[sflag:s5] =	ssyncadd.remote.s32 @!p0 $0x1  }
0xb4: {  	s26 =	simm.s32 $execute0_lowered;
	[smem:$0x3FD2] =	sst s25  }
0xb5: {  	s6 =	sshll.u32 s26, $0x1;
	_ =	strace $0x8000004F;
	[dreg:$0x1] =	wrdreg $0xFFFFFFFF  }
0xb6: {  	s28 =	simm.s32 $_size_execute0_lowered;
	s4 =	sadd.s32 s4, s6;
	[dreg:$0x0] =	wrdreg $0x0  }
0xb7: {  	s6 =	sshll.u32 s28, $0x1;
	[dreg:$0x2] =	wrdreg s4  }
0xb8: {  	[dreg:$0x3] =	wrdreg s6  }
0xb9: {  	[dreg:$0x4] =	wrdreg $0xC0  }
0xba: {  	_ =	task [dreg:s22], $0x5FFFF  }
0xbb: {  	[dreg:$0x1] =	wrdreg $0xFFFFFFFF  }
0xbc: {  	[dreg:$0x0] =	wrdreg $0x60  }
0xbd: {  	[dreg:$0x2] =	wrdreg s18  }
0xbe: {  	[dreg:$0x3] =	wrdreg s24  }
0xbf: {  	[dreg:$0x4] =	wrdreg $0x81000  }
0xc0: {  	[dreg:$0x5] =	wrdreg $0x9  }
0xc1: {  	_ =	task.clear_ibuf [dreg:s22], $0x6FFFF;
	_ =	strace $0x9000004F  }
0xc2: {  	s29 =	simm.s32 $0x9;
	_ =	strace $0x80000051  }
0xc3: {  	_ =	swait.ge [sflag:s29], $0x1  }
0xc4: {  	[sflag:s29] =	ssyncadd.s32 $0xFFFFFFFF  }
0xc5: {  	_ =	strace $0x90000051  }
0xc6: {  	_ =	sfence  }
0xc7: {  	s30 =	sld [smem:$0x0];
	_ =	sdelay $0x2  }
0xc8: {  	s31 =	sshll.u32 s1, $0xD;
	s1 =	sshrl.u32 s1, $0x2  }
0xc9: {  	s4 =	sand.u32 $0x4000, s31;
	s1 =	sadd.s32 s1, s30  }
0xca: {  	s0 =	sor.u32 s4, s0;
	s1 =	sshll.u32 s1, $0x11  }
0xcb: {  	s0 =	sor.u32 s1, s0  }
0xcc: {  	s0 =	sadd.s32 $0x8F2B, s0  }
0xcd: {  	[sflag:s0] =	ssyncadd.remote.s32 $0x1  }
0xce: {  	_ =	sfence.sel $0xFFFF  }
0xcf: {  	[dreg:$0x0] =	wrdreg $0xFFFFFFFF;
	(pc) =	sbr.abs _section_cstart, $3  }
0xd0: {  	[dreg:$0x1] =	wrdreg $0xFFFFFFFF  }
0xd1: {  	_ =	task.clear_ibuf [dreg:s22], $0x2FFFF;
	_ =	strace $0x9FFFFFFF  }
0xd2: {  	(tm) =	ssettm $0x7FFFFFFF  }
0xd3: {  	_ =	shalt  }
tec
execute0_lowered:
.L_overlay_start_1:
0x0: {  	(tag) =	ssettag $0x1  }
0x1: {  	s1 =	rddreg [dreg:$0x0]  }
0x2: {  	s5 =	rddreg [dreg:$0x1]  }
0x3: {  	s0 =	srdreg.scid;
	s3 =	rddreg [dreg:$0x2]  }
0x4: {  	s2 =	stileid.u32;
	s4 =	simm.s32 $0x0;
	s13 =	simm.s32 $0x100  }
0x5: {  	s14 =	simm.s32 $0x4100;
	s15 =	simm.s32 $0x1;
	s29 =	smul.u32 $0x7D000, s2  }
0x6: {  	s6 =	sand.u32 $0x1, s0;
	s0 =	rddreg [dreg:$0x3];
	s17 =	smul.u32 $0x3E80, s2  }
0x7: {  	[smem:$0x7FF] =	sst s4;
	s11 =	sxor.u32 $0xF, s2;
	s7 =	smul.u32 $0x139, s6  }
0x8: {  	s31 =	sshll.u32 s2, $0xC;
	p0 =	sgt.u32 s2, $0x9;
	s8 =	smul.u32 $0x139000, s6  }
0x9: {  	s9 =	smul.u32 $0x27100, s6;
	s30 =	ssub.s32 $0x2, s6;
	s6 =	sxor.u32 $0x139, s6  }
0xa: {  	_ =	strace $0x80000050;
	s12 =	sshrl.u32 s30, $0x1;
	s6 =	sadd.s32 s6, s11  }
0xb: {  	s7 =	sadd.s32 s2, s7;
	s26 =	sadd.s32 s8, s5;
	s28 =	sadd.s32 s9, s5  }
0xc: {  	s9 =	ssub.s32 s30, s12;
	s12 =	simm.s32 $0x80;
	s7 =	sshll.u32 s7, $0x5  }
0xd: {  	s16 =	sadd.s32 $0x28D000, s28;
	s10 =	sadd.s32 s7, s5;
	s5 =	sshrl.u32 s29, $0x2  }
0xe: {  	s7 =	sadd.s32 s31, s26;
	s16 =	sadd.s32 @!p0 s17, s16;
	s17 =	simm.s32 $0x0  }
0xf: {  	s11 =	sadd.s32 s5, s3;
	s5 =	sshrl.u32 s6, $0x4;
	s6 =	smax.u32 s9, $0x1  }
0x10: {  	s7 =	sadd.s32 $0x8200, s7;
	s8 =	sadd.s32 $0x288010, s10;
	s9 =	sshll.u32 @!p0 s2, $0x6  }
0x11: {  	s9 =	sor.u32 @!p0 $0x1C02, s9;
	s10 =	sshrl.u32 @!p0 s11, $0x3;
	s11 =	simm.s32 $0x2  }
.LBB2_1:
0x12: {  	[spmem:s10], [sflag:s9] =	dma.local @!p0 [hbm:s1], $0x3E80  }
0x13: {  	s18 =	simm.s32 @!p0 $0x2;
	p2 =	sne.s32 s5, $0x1  }
.Ltmp0:
0x14: {  	_ =	swait.ge @!p0 [sflag:s18], $0x3E80;
	(pc) =	sbr.rel @!p2 .LBB2_5-.Ltmp0, $4  }
0x15: {  	[sflag:s18] =	ssyncset.done @!p0 $0x0  }
0x16: {  	[sflag:s18] =	ssyncadd.s32 @!p0 $0xFFFFC180  }
0x17: {  	s21 =	sadd.s32 $0xFFFFFFFF, s5;
	[bflag:$0x0] =	sbarrier.arrive $0xFFFF  }
0x18: {  	p1 =	por $0x0, $0x0;
	s19 =	smov.u32 s8;
	s20 =	smov.u32 s7  }
0x19: {  	s19 =	sadd.s32 $0xFFFFFFF0, s8  }
0x1a: {  	[tilespmem:s4], [sflag:$0x2] =	stream.linear.gather [hbm4b:s19+s4], $0x80, $0x38;
	[tilespmem:$0x1B980] =	vst v63  }
0x1b: {  	_ =	swait.ge [sflag:s11], $0x80  }
0x1c: {  	[sflag:s11] =	ssyncset.done $0x0  }
0x1d: {  	[sflag:s11] =	ssyncadd.s32 $0xFFFFFF80  }
0x1e: {  	[tilespmem:s12], [sflag:$0x2] =	stream.linear.gather [hbm4b:s8+s4], $0x80, $0x38;
	[tilespmem:$0x1B980] =	vst v63  }
0x1f: {  	_ =	swait.ge [sflag:s11], $0x80  }
0x20: {  	[sflag:s11] =	ssyncset.done $0x0  }
0x21: {  	[sflag:s11] =	ssyncadd.s32 $0xFFFFFF80  }
0x22: {  	[tilespmem:s13], [sflag:$0x2] =	stream.linear.gather [hbm4b:s7+s4], $0x8000, $0x38;
	[tilespmem:$0x1B980] =	vst v63  }
0x23: {  	_ =	swait.ge [sflag:s11], $0x8000  }
0x24: {  	[sflag:s11] =	ssyncset.done $0x0  }
0x25: {  	[sflag:s11] =	ssyncadd.s32 $0xFFFF8000  }
0x26: {  	[spmem:s3] =	stream.indirect.scatter.add.f32 [tilespmem:s13], [sflag:$0x1], $0x80, s4, s12, $0xb8;
	[tilespmem:$0x1B980] =	vst v63  }
0x27: {  	p2 =	sne.s32 s21, $0x1  }
0x28: {  	[spmem:s3] =	stream.indirect.scatter.add.f32 [tilespmem:s14], [sflag:$0x1], $0x80, s12, s12, $0xb8;
	[tilespmem:$0x1B980] =	vst v63  }
.Ltmp1:
0x29: {  	_ =	swait.ge [sflag:s15], $0x4000;
	(pc) =	sbr.rel @!p2 .LBB2_3-.Ltmp1, $4  }
0x2a: {  	[sflag:s15] =	ssyncset.done $0x0  }
0x2b: {  	[sflag:s15] =	ssyncadd.s32 $0xFFFFC000  }
0x2c: {  	s21 =	sadd.s32 $0xFFFFFFFF, s21;
	p1 =	por $0x1, $0x1;
	_ =	swait.ge [sflag:s15], $0x4000  }
0x2d: {  	s20 =	smov.u32 s7;
	s19 =	sadd.s32 $0x200, s8;
	[sflag:s15] =	ssyncset.done $0x0  }
.LBB2_4:
0x2e: {  	s22 =	sadd.s32 $0xFFFFFFF0, s19;
	[sflag:s15] =	ssyncadd.s32 $0xFFFFC000;
	s20 =	sadd.s32 $0x10000, s20  }
0x2f: {  	[tilespmem:s4], [sflag:$0x2] =	stream.linear.gather [hbm4b:s22+s4], $0x80, $0x38;
	[tilespmem:$0x1B980] =	vst v63  }
0x30: {  	p2 =	sne.s32 s21, $0x1;
	s21 =	sadd.s32 $0xFFFFFFFF, s21;
	_ =	swait.ge [sflag:s11], $0x80  }
0x31: {  	[sflag:s11] =	ssyncset.done $0x0  }
0x32: {  	[sflag:s11] =	ssyncadd.s32 $0xFFFFFF80  }
0x33: {  	[tilespmem:s12], [sflag:$0x2] =	stream.linear.gather [hbm4b:s19+s4], $0x80, $0x38;
	[tilespmem:$0x1B980] =	vst v63  }
0x34: {  	_ =	swait.ge [sflag:s11], $0x80  }
0x35: {  	[sflag:s11] =	ssyncset.done $0x0  }
0x36: {  	[sflag:s11] =	ssyncadd.s32 $0xFFFFFF80  }
0x37: {  	[tilespmem:s13], [sflag:$0x2] =	stream.linear.gather [hbm4b:s20+s4], $0x8000, $0x38;
	[tilespmem:$0x1B980] =	vst v63  }
0x38: {  	_ =	swait.ge [sflag:s11], $0x8000  }
0x39: {  	[sflag:s11] =	ssyncset.done $0x0  }
0x3a: {  	[sflag:s11] =	ssyncadd.s32 $0xFFFF8000  }
0x3b: {  	[spmem:s3] =	stream.indirect.scatter.add.f32 [tilespmem:s13], [sflag:$0x1], $0x80, s4, s12, $0xb8;
	[tilespmem:$0x1B980] =	vst v63  }
0x3c: {  	_ = 	snop  }
0x3d: {  	[spmem:s3] =	stream.indirect.scatter.add.f32 [tilespmem:s14], [sflag:$0x1], $0x80, s12, s12, $0xb8;
	[tilespmem:$0x1B980] =	vst v63  }
.Ltmp2:
0x3e: {  	_ =	swait.ge [sflag:s15], $0x4000;
	(pc) =	sbr.rel @p2 .LBB2_4-.Ltmp2, $4  }
0x3f: {  	[sflag:s15] =	ssyncset.done $0x0  }
0x40: {  	[sflag:s15] =	ssyncadd.s32 $0xFFFFC000  }
0x41: {  	_ =	swait.ge [sflag:s15], $0x4000  }
0x42: {  	s19 =	sadd.s32 $0x200, s19;
	[sflag:s15] =	ssyncset.done $0x0  }
.LBB2_5:
0x43: {  	s21 =	sadd.s32 $0xFFFFFFF0, s19;
	[sflag:s15] =	ssyncadd.s32 @p1 $0xFFFFC000  }
0x44: {  	[tilespmem:s4], [sflag:$0x2] =	stream.linear.gather [hbm4b:s21+s4], $0x80, $0x38;
	[tilespmem:$0x1B980] =	vst v63  }
0x45: {  	_ =	swait.ge [sflag:s11], $0x80  }
0x46: {  	[sflag:s11] =	ssyncset.done $0x0  }
0x47: {  	[sflag:s11] =	ssyncadd.s32 $0xFFFFFF80  }
0x48: {  	[tilespmem:s12], [sflag:$0x2] =	stream.linear.gather [hbm4b:s19+s4], $0x80, $0x38;
	[tilespmem:$0x1B980] =	vst v63  }
0x49: {  	_ =	swait.ge [sflag:s11], $0x80  }
0x4a: {  	s19 =	sadd.s32 @p1 $0x10000, s20;
	s20 =	smov.u32 s7;
	[sflag:s11] =	ssyncset.done $0x0  }
0x4b: {  	s20 =	smov.u32 @p1 s19;
	[sflag:s11] =	ssyncadd.s32 $0xFFFFFF80  }
0x4c: {  	[tilespmem:s13], [sflag:$0x2] =	stream.linear.gather [hbm4b:s20+s4], $0x8000, $0x38;
	[tilespmem:$0x1B980] =	vst v63  }
0x4d: {  	_ =	swait.ge [sflag:s11], $0x8000  }
0x4e: {  	[sflag:s11] =	ssyncset.done $0x0  }
0x4f: {  	[sflag:s11] =	ssyncadd.s32 $0xFFFF8000  }
0x50: {  	[spmem:s3] =	stream.indirect.scatter.add.f32 [tilespmem:s13], [sflag:$0x1], $0x80, s4, s12, $0xb8;
	[tilespmem:$0x1B980] =	vst v63  }
0x51: {  	_ = 	snop  }
0x52: {  	[spmem:s3] =	stream.indirect.scatter.add.f32 [tilespmem:s14], [sflag:$0x1], $0x80, s12, s12, $0xb8;
	[tilespmem:$0x1B980] =	vst v63  }
0x53: {  	_ =	swait.ge [sflag:s15], $0x4000  }
0x54: {  	[sflag:s15] =	ssyncset.done $0x0  }
0x55: {  	[sflag:s15] =	ssyncadd.s32 $0xFFFFC000  }
0x56: {  	_ =	swait.ge [sflag:s15], $0x4000  }
0x57: {  	[sflag:s15] =	ssyncset.done $0x0  }
0x58: {  	s17 =	sadd.s32 $0x1, s17;
	[sflag:s15] =	ssyncadd.s32 $0xFFFFC000  }
0x59: {  	p1 =	sne.s32 s17, s6;
	[bflag:$0x0] =	sbarrier.arrive $0xFFFF  }
0x5a: {  	[hbm:s16], [sflag:s9] =	dma.local @!p0 [spmem:s10], $0x3E80  }
.Ltmp3:
0x5b: {  	_ = 	snop;
	(pc) =	sbr.rel @p1 .LBB2_1-.Ltmp3, $4  }
.Ltmp4:
0x5c: {  	_ = 	snop;
	(pc) =	sbr.rel @!p1 .LBB2_6-.Ltmp4, $4  }
0x5d: {  	_ =	swait.ge @!p0 [sflag:s18], $0x3E80  }
0x5e: {  	[sflag:s18] =	ssyncset.done @!p0 $0x0  }
0x5f: {  	[sflag:s18] =	ssyncadd.s32 @!p0 $0xFFFFC180  }
0x60: {  	_ = 	snop  }
.LBB2_3:
.Ltmp5:
0x61: {  	(pc) =	sbr.rel .LBB2_5-.Ltmp5, $2  }
0x62: {  	_ =	sdelay $0x2  }
0x63: {  	s20 =	smov.u32 s7  }
.LBB2_6:
0x64: {  	_ =	sfence.sel $0x180000  }
0x65: {  	[bflag:$0x0] =	sbarrier.arrive $0xFFFF  }
0x66: {  	p0 =	sne.s32 s2, $0x0;
	_ =	strace $0x90000050  }
0x67: {  	s0 =	sadd.s32 @!p0 $0x100000, s0;
	[bflag:$0x2] =	sbarrier.arrive $0xFFFF  }
0x68: {  	[sflag:s0] =	ssyncadd.tile.s32 @!p0 $0x1;
	_ =	shalt  }
.Lfunc_end2:
_tile_overlayer_lowered:
.L_overlay_start_2:
0x69: {  	(tag) =	ssettag $0x2  }
0x6a: {  	s0 =	rddreg [dreg:$0x0];
	s2 =	stileid.u32  }
0x6b: {  	s1 =	rddreg [dreg:$0x1];
	p0 =	sne.s32 s2, $0x0  }
0x6c: {  	s3 =	rddreg [dreg:$0x2];
	[bflag:$0x3] =	sbarrier.arrive $0xFFFF;
	s2 =	simm.s32 @!p0 $0x1C02  }
0x6d: {  	[timem:s3], [sflag:s2] =	dma.local @!p0 [hbm:s0], s1  }
0x6e: {  	s0 =	simm.s32 @!p0 $0x2  }
0x6f: {  	_ =	swait.ge @!p0 [sflag:s0], s1  }
0x70: {  	s1 =	ssub.s32 @!p0 $0x0, s1;
	[sflag:s0] =	ssyncset.done @!p0 $0x0  }
0x71: {  	[sflag:s0] =	ssyncadd.s32 @!p0 s1  }
0x72: {  	[bflag:$0x3] =	sbarrier.arrive $0xFFFF  }
0x73: {  	_ =	shalt  }

// kernel: kernel.22.cloned.1.call-start
scs
__scs_entry_jumppad:
0x0: {  	(pc) =	sbr.rel $0x88, $3  }
0x1: {  	(tag) =	ssettag $0x0;
	lr =	simm.s32 $0x1  }
0x2: {  	[smem:$0x3F92] =	sst lr;
	_ =	strace $0xD0000000  }
0x3: {  	_ = 	snop  }
0x4: {  	_ = 	snop  }
0x5: {  	_ = 	snop  }
0x6: {  	_ = 	snop  }
0x7: {  	_ = 	snop  }
__scs_overlays_trampoline_lowered:
0x8: {  	[smem:$0x3FA1] =	sst s0  }
0x9: {  	[smem:$0x3FA2] =	sst s1  }
0xa: {  	[smem:$0x3FA3] =	sst s2  }
0xb: {  	[smem:$0x3FA4] =	sst s3  }
0xc: {  	[smem:$0x3FA5] =	sst s4  }
0xd: {  	[smem:$0x3FA6] =	sst s5  }
0xe: {  	[smem:$0x3FA7] =	sst s6  }
0xf: {  	[smem:$0x3FA8] =	sst s7  }
0x10: {  	[smem:$0x3FA9] =	sst s8  }
0x11: {  	[smem:$0x3FAA] =	sst s9;
	s0 =	simm.s32 @!p0 $0x0  }
0x12: {  	s1 =	sld [smem:$0x3F90];
	s0 =	simm.s32 @p0 $0x1  }
0x13: {  	[smem:$0x3FAB] =	sst s0;
	s0 =	simm.s32 @!p1 $0x0  }
0x14: {  	s2 =	sld [smem:$0x3F8F];
	s0 =	simm.s32 @p1 $0x1  }
0x15: {  	[smem:$0x3FAC] =	sst s0;
	s0 =	simm.s32 @!p2 $0x0  }
0x16: {  	s3 =	sld [smem:$0x3FDB];
	s0 =	simm.s32 @p2 $0x1  }
0x17: {  	s4 =	simm.s32 $0x1BF5;
	[smem:$0x3FAE] =	sst s0  }
0x18: {  	s0 =	sld [smem:$0x3F91];
	_ =	swait.ge [sflag:s4], $0x0  }
0x19: {  	s7 =	sld [smem:$0x3F92]  }
0x1a: {  	s8 =	sadd.s32 $0xFFFFE003, lr  }
0x1b: {  	s9 =	sadd.s32 $0xFFFFFEF7, lr;
	s5 =	simm.s32 $0xFFFFFFFF;
	p2 =	slt.u32 s8, $0xFFFFF086  }
0x1c: {  	p1 =	slt.u32 s9, $0xF7A;
	s5 =	simm.s32 @!p2 $0x0  }
0x1d: {  	s5 =	simm.s32 @p1 $0x1;
	p0 =	seq.s32 s7, s2  }
0x1e: {  	s7 =	smul.u32 @!p0 $0xF7A, s2;
	p2 =	seq.s32 @!p0 s5, $0x0  }
0x1f: {  	s9 =	smul.u32 $0xF7A, s1;
	s8 =	simm.s32 @!p0 $0x1BF5;
	p2 =	por !p2, p0  }
0x20: {  	[sflag:s8] =	ssyncset.s32 @!p0 $0xFFFFF086;
	s6 =	sadd.s32 @!p0 s3, s7;
	s7 =	simm.s32 @!p0 $0x108  }
0x21: {  	s3 =	sadd.s32 s3, s9;
	s6 =	sadd.s32 @!p0 $0x88, s6;
	s7 =	simm.s32 @p2 $0x1082  }
0x22: {  	[simem:s7], [sflag:s8] =	dma.local @!p0 [hbm:s6], $0xF7A  }
0x23: {  	s9 =	sor.u32 $0xD0000000, s2;
	s6 =	simm.s32 $0x108;
	_ =	swait.ge @!p0 [sflag:s8], $0x0  }
0x24: {  	s3 =	sadd.s32 $0x88, s3;
	s6 =	simm.s32 @!p1 $0x1082;
	[sflag:s4] =	ssyncset.s32 $0xFFFFF086  }
0x25: {  	[simem:s6], [sflag:s4] =	dma.local [hbm:s3], $0xF7A  }
0x26: {  	[smem:$0x3F92] =	sst s1;
	(tag) =	ssettag s2;
	_ =	strace s9  }
0x27: {  	s1 =	sld [smem:$0x3FA2]  }
0x28: {  	s2 =	sld [smem:$0x3FA3]  }
0x29: {  	s4 =	sld [smem:$0x3FA5]  }
0x2a: {  	p0 =	seq.s32 s5, $0x0;
	s5 =	sld [smem:$0x3FA6]  }
0x2b: {  	s6 =	sld [smem:$0x3FA7]  }
0x2c: {  	s7 =	sld [smem:$0x3FA8]  }
0x2d: {  	s3 =	simm.s32 $0x108;
	s8 =	sld [smem:$0x3FA9]  }
0x2e: {  	s3 =	simm.s32 @!p0 $0x1082;
	s9 =	sld [smem:$0x3FAA]  }
0x2f: {  	lr =	sadd.s32 s0, s3;
	s0 =	sld [smem:$0x3FA1]  }
0x30: {  	s3 =	sld [smem:$0x3FA4]  }
0x31: {  	[smem:$0x3FAD] =	sst s10  }
0x32: {  	s10 =	sld [smem:$0x3FAB];
	_ =	sdelay $0x3  }
0x33: {  	p0 =	seq.s32 s10, $0x1;
	s10 =	sld [smem:$0x3FAD];
	_ =	sdelay $0x3  }
0x34: {  	[smem:$0x3FAD] =	sst s10  }
0x35: {  	s10 =	sld [smem:$0x3FAC];
	_ =	sdelay $0x3  }
0x36: {  	p1 =	seq.s32 s10, $0x1;
	s10 =	sld [smem:$0x3FAD];
	_ =	sdelay $0x3  }
0x37: {  	[smem:$0x3FAD] =	sst s10  }
0x38: {  	s10 =	sld [smem:$0x3FAE]  }
0x39: {  	_ = 	snop;
	(pc) =	sbr.ind lr, $3  }
0x3a: {  	_ = 	snop  }
0x3b: {  	_ = 	snop  }
0x3c: {  	p2 =	seq.s32 s10, $0x1;
	s10 =	sld [smem:$0x3FAD]  }
0x3d: {  	_ =	shalt  }
0x3e: {  	_ =	shalt  }
0x3f: {  	_ =	shalt  }
0x40: {  	_ =	shalt  }
0x41: {  	_ =	shalt  }
0x42: {  	_ =	shalt  }
0x43: {  	_ =	shalt  }
0x44: {  	_ =	shalt  }
0x45: {  	_ =	shalt  }
0x46: {  	_ =	shalt  }
0x47: {  	_ =	shalt  }
0x48: {  	_ =	shalt  }
0x49: {  	_ =	shalt  }
0x4a: {  	_ =	shalt  }
0x4b: {  	_ =	shalt  }
0x4c: {  	_ =	shalt  }
0x4d: {  	_ =	shalt  }
0x4e: {  	_ =	shalt  }
0x4f: {  	_ =	shalt  }
0x50: {  	_ =	shalt  }
0x51: {  	_ =	shalt  }
0x52: {  	_ =	shalt  }
0x53: {  	_ =	shalt  }
0x54: {  	_ =	shalt  }
0x55: {  	_ =	shalt  }
0x56: {  	_ =	shalt  }
0x57: {  	_ =	shalt  }
0x58: {  	_ =	shalt  }
0x59: {  	_ =	shalt  }
0x5a: {  	_ =	shalt  }
0x5b: {  	_ =	shalt  }
0x5c: {  	_ =	shalt  }
0x5d: {  	_ =	shalt  }
0x5e: {  	_ =	shalt  }
0x5f: {  	_ =	shalt  }
0x60: {  	_ =	shalt  }
0x61: {  	_ =	shalt  }
0x62: {  	_ =	shalt  }
0x63: {  	_ =	shalt  }
0x64: {  	_ =	shalt  }
0x65: {  	_ =	shalt  }
0x66: {  	_ =	shalt  }
0x67: {  	_ =	shalt  }
0x68: {  	_ =	shalt  }
0x69: {  	_ =	shalt  }
0x6a: {  	_ =	shalt  }
0x6b: {  	_ =	shalt  }
0x6c: {  	_ =	shalt  }
0x6d: {  	_ =	shalt  }
0x6e: {  	_ =	shalt  }
0x6f: {  	_ =	shalt  }
0x70: {  	_ =	shalt  }
0x71: {  	_ =	shalt  }
0x72: {  	_ =	shalt  }
0x73: {  	_ =	shalt  }
0x74: {  	_ =	shalt  }
0x75: {  	_ =	shalt  }
0x76: {  	_ =	shalt  }
0x77: {  	_ =	shalt  }
0x78: {  	_ =	shalt  }
0x79: {  	_ =	shalt  }
0x7a: {  	_ =	shalt  }
0x7b: {  	_ =	shalt  }
0x7c: {  	_ =	shalt  }
0x7d: {  	_ =	shalt  }
0x7e: {  	_ =	shalt  }
0x7f: {  	_ =	shalt  }
0x80: {  	_ =	shalt  }
0x81: {  	_ =	shalt  }
0x82: {  	_ =	shalt  }
0x83: {  	_ =	shalt  }
0x84: {  	_ =	shalt  }
0x85: {  	_ =	shalt  }
0x86: {  	_ =	shalt  }
0x87: {  	_ =	shalt  }
.Lfunc_end0:
.L_simem_size_0:
called_computation.3_lowered:
.L_overlay_start_0:
0x88: {  	s2 =	sld [smem:$0x3FD9]  }
0x89: {  	s3 =	sld [smem:$0x3FFE];
	_ =	sdelay $0x1  }
0x8a: {  	s1 =	srdreg.scid  }
0x8b: {  	s0 =	sand.u32 $0x1, s1  }
0x8c: {  	s17 =	sshll.u32 s0, $0xA;
	s2 =	sadd.s32 s3, s2  }
0x8d: {  	s2 =	sadd.s32 s2, s17  }
0x8e: {  	[smem:$0x3FB9] =	sst s2  }
0x8f: {  	_ = 	snop  }
0x90: {  	s2 =	sld [smem:$0x3FD0];
	(tm) =	ssettm $0x1  }
0x91: {  	s18 =	sld [smem:$0x3FFB];
	_ =	sdelay $0x3  }
0x92: {  	_ =	strace s18  }
0x93: {  	s3 =	sld [smem:$0x3FFC];
	_ =	sdelay $0x3  }
0x94: {  	_ =	strace s3  }
0x95: {  	s3 =	sld [smem:$0x3FFD];
	_ =	sdelay $0x3  }
0x96: {  	_ =	strace s3  }
0x97: {  	_ =	strace $0x8FFFFFFF  }
0x98: {  	s19 =	sld [smem:$0x3FDB];
	_ =	sdelay $0x1  }
0x99: {  	s4 =	simm.s32 $_scs_section_size  }
0x9a: {  	s5 =	simm.s32 $_size__tile_overlayer_lowered;
	s6 =	simm.s32 $_tile_overlayer_lowered  }
0x9b: {  	s22 =	simm.s32 $0x1BFF;
	s21 =	sshll.u32 s6, $0x1;
	s3 =	sadd.s32 s4, s19  }
0x9c: {  	s7 =	simm.s32 $0x0;
	s20 =	sshll.u32 s5, $0x1;
	s5 =	sadd.s32 s21, s3  }
0x9d: {  	[timem:s7], [sflag:s22] =	dma.local [hbm:s5], s20  }
0x9e: {  	_ =	swait.ge [sflag:s22], s20  }
0x9f: {  	s4 =	ssub.s32 $0x0, s20;
	[sflag:s22] =	ssyncset.done $0x0  }
0xa0: {  	[sflag:s22] =	ssyncadd.s32 s4;
	_ =	sdelay $0x1  }
0xa1: {  	s23 =	simm.s32 $0x1B8B  }
0xa2: {  	_ =	swait.ge [sflag:s23], $0x1  }
0xa3: {  	[sflag:s23] =	ssyncset.done $0x0  }
0xa4: {  	s25 =	simm.s32 $0x1B8E;
	s24 =	sld [smem:$0x3FFE];
	[sflag:s23] =	ssyncadd.s32 $0xFFFFFFFF  }
0xa5: {  	s26 =	simm.s32 $execute0_lowered;
	[smem:$0x3FD2] =	sst s25  }
0xa6: {  	s5 =	sshll.u32 s26, $0x1;
	_ =	strace $0x8000004C;
	[dreg:$0x1] =	wrdreg $0xFFFFFFFF  }
0xa7: {  	s28 =	simm.s32 $_size_execute0_lowered;
	s3 =	sadd.s32 s3, s5;
	[dreg:$0x0] =	wrdreg $0x0  }
0xa8: {  	s5 =	sshll.u32 s28, $0x1;
	[dreg:$0x2] =	wrdreg s3  }
0xa9: {  	[dreg:$0x3] =	wrdreg s5  }
0xaa: {  	[dreg:$0x4] =	wrdreg $0xC0  }
0xab: {  	_ =	task [dreg:s7], $0x5FFFF  }
0xac: {  	[dreg:$0x1] =	wrdreg $0xFFFFFFFF  }
0xad: {  	[dreg:$0x0] =	wrdreg $0x60  }
0xae: {  	[dreg:$0x2] =	wrdreg s2  }
0xaf: {  	[dreg:$0x3] =	wrdreg s24  }
0xb0: {  	[dreg:$0x4] =	wrdreg $0x81000  }
0xb1: {  	[dreg:$0x5] =	wrdreg $0xA  }
0xb2: {  	_ =	task.clear_ibuf [dreg:s7], $0x6FFFF;
	_ =	strace $0x9000004C  }
0xb3: {  	s29 =	simm.s32 $0xA;
	_ =	strace $0x8000004E  }
0xb4: {  	_ =	swait.ge [sflag:s29], $0x1  }
0xb5: {  	[sflag:s29] =	ssyncadd.s32 $0xFFFFFFFF  }
0xb6: {  	_ =	strace $0x9000004E  }
0xb7: {  	_ =	sfence  }
0xb8: {  	s30 =	sld [smem:$0x0];
	_ =	sdelay $0x2  }
0xb9: {  	s31 =	sshll.u32 s1, $0xD;
	s1 =	sshrl.u32 s1, $0x2  }
0xba: {  	s3 =	sand.u32 $0x4000, s31;
	s1 =	sadd.s32 s1, s30  }
0xbb: {  	s0 =	sor.u32 s3, s0;
	s1 =	sshll.u32 s1, $0x11  }
0xbc: {  	s0 =	sor.u32 s1, s0  }
0xbd: {  	s0 =	sadd.s32 $0x8F2B, s0  }
0xbe: {  	[sflag:s0] =	ssyncadd.remote.s32 $0x1  }
0xbf: {  	_ =	sfence.sel $0xFFFF  }
0xc0: {  	[dreg:$0x0] =	wrdreg $0xFFFFFFFF;
	(pc) =	sbr.abs _section_cstart, $3  }
0xc1: {  	[dreg:$0x1] =	wrdreg $0xFFFFFFFF  }
0xc2: {  	_ =	task.clear_ibuf [dreg:s7], $0x2FFFF;
	_ =	strace $0x9FFFFFFF  }
0xc3: {  	(tm) =	ssettm $0x7FFFFFFF  }
tec
execute0_lowered:
.L_overlay_start_1:
0x0: {  	(tag) =	ssettag $0x1  }
0x1: {  	s1 =	rddreg [dreg:$0x0]  }
0x2: {  	s5 =	rddreg [dreg:$0x1]  }
0x3: {  	s0 =	srdreg.scid;
	s3 =	rddreg [dreg:$0x2]  }
0x4: {  	s2 =	stileid.u32;
	s4 =	simm.s32 $0x0;
	s13 =	simm.s32 $0x100  }
0x5: {  	s14 =	simm.s32 $0x4100;
	s15 =	simm.s32 $0x1;
	s29 =	smul.u32 $0x7D000, s2  }
0x6: {  	s6 =	sand.u32 $0x1, s0;
	s0 =	rddreg [dreg:$0x3];
	s17 =	smul.u32 $0x3E80, s2  }
0x7: {  	[smem:$0x7FF] =	sst s4;
	s11 =	sxor.u32 $0xF, s2;
	s7 =	smul.u32 $0x139, s6  }
0x8: {  	s31 =	sshll.u32 s2, $0xC;
	p0 =	sgt.u32 s2, $0x9;
	s8 =	smul.u32 $0x139000, s6  }
0x9: {  	s9 =	smul.u32 $0x27100, s6;
	s30 =	ssub.s32 $0x2, s6;
	s6 =	sxor.u32 $0x139, s6  }
0xa: {  	_ =	strace $0x8000004D;
	s12 =	sshrl.u32 s30, $0x1;
	s6 =	sadd.s32 s6, s11  }
0xb: {  	s7 =	sadd.s32 s2, s7;
	s26 =	sadd.s32 s8, s5;
	s28 =	sadd.s32 s9, s5  }
0xc: {  	s9 =	ssub.s32 s30, s12;
	s12 =	simm.s32 $0x80;
	s7 =	sshll.u32 s7, $0x5  }
0xd: {  	s16 =	sadd.s32 $0x4FE000, s28;
	s10 =	sadd.s32 s7, s5;
	s5 =	sshrl.u32 s29, $0x2  }
0xe: {  	s7 =	sadd.s32 s31, s26;
	s16 =	sadd.s32 @!p0 s17, s16;
	s17 =	simm.s32 $0x0  }
0xf: {  	s11 =	sadd.s32 s5, s3;
	s5 =	sshrl.u32 s6, $0x4;
	s6 =	smax.u32 s9, $0x1  }
0x10: {  	s7 =	sadd.s32 $0x9E0000, s7;
	s8 =	sadd.s32 $0x3210, s10;
	s9 =	sshll.u32 @!p0 s2, $0x6  }
0x11: {  	s9 =	sor.u32 @!p0 $0x1C02, s9;
	s10 =	sshrl.u32 @!p0 s11, $0x3;
	s11 =	simm.s32 $0x2  }
.LBB2_1:
0x12: {  	[spmem:s10], [sflag:s9] =	dma.local @!p0 [hbm:s1], $0x3E80  }
0x13: {  	s18 =	simm.s32 @!p0 $0x2;
	p2 =	sne.s32 s5, $0x1  }
.Ltmp0:
0x14: {  	_ =	swait.ge @!p0 [sflag:s18], $0x3E80;
	(pc) =	sbr.rel @!p2 .LBB2_5-.Ltmp0, $4  }
0x15: {  	[sflag:s18] =	ssyncset.done @!p0 $0x0  }
0x16: {  	[sflag:s18] =	ssyncadd.s32 @!p0 $0xFFFFC180  }
0x17: {  	s21 =	sadd.s32 $0xFFFFFFFF, s5;
	[bflag:$0x0] =	sbarrier.arrive $0xFFFF  }
0x18: {  	p1 =	por $0x0, $0x0;
	s19 =	smov.u32 s8;
	s20 =	smov.u32 s7  }
0x19: {  	s19 =	sadd.s32 $0xFFFFFFF0, s8  }
0x1a: {  	[tilespmem:s4], [sflag:$0x2] =	stream.linear.gather [hbm4b:s19+s4], $0x80, $0x38;
	[tilespmem:$0x1B980] =	vst v63  }
0x1b: {  	_ =	swait.ge [sflag:s11], $0x80  }
0x1c: {  	[sflag:s11] =	ssyncset.done $0x0  }
0x1d: {  	[sflag:s11] =	ssyncadd.s32 $0xFFFFFF80  }
0x1e: {  	[tilespmem:s12], [sflag:$0x2] =	stream.linear.gather [hbm4b:s8+s4], $0x80, $0x38;
	[tilespmem:$0x1B980] =	vst v63  }
0x1f: {  	_ =	swait.ge [sflag:s11], $0x80  }
0x20: {  	[sflag:s11] =	ssyncset.done $0x0  }
0x21: {  	[sflag:s11] =	ssyncadd.s32 $0xFFFFFF80  }
0x22: {  	[tilespmem:s13], [sflag:$0x2] =	stream.linear.gather [hbm4b:s7+s4], $0x8000, $0x38;
	[tilespmem:$0x1B980] =	vst v63  }
0x23: {  	_ =	swait.ge [sflag:s11], $0x8000  }
0x24: {  	[sflag:s11] =	ssyncset.done $0x0  }
0x25: {  	[sflag:s11] =	ssyncadd.s32 $0xFFFF8000  }
0x26: {  	[spmem:s3] =	stream.indirect.scatter.add.f32 [tilespmem:s13], [sflag:$0x1], $0x80, s4, s12, $0xb8;
	[tilespmem:$0x1B980] =	vst v63  }
0x27: {  	p2 =	sne.s32 s21, $0x1  }
0x28: {  	[spmem:s3] =	stream.indirect.scatter.add.f32 [tilespmem:s14], [sflag:$0x1], $0x80, s12, s12, $0xb8;
	[tilespmem:$0x1B980] =	vst v63  }
.Ltmp1:
0x29: {  	_ =	swait.ge [sflag:s15], $0x4000;
	(pc) =	sbr.rel @!p2 .LBB2_3-.Ltmp1, $4  }
0x2a: {  	[sflag:s15] =	ssyncset.done $0x0  }
0x2b: {  	[sflag:s15] =	ssyncadd.s32 $0xFFFFC000  }
0x2c: {  	s21 =	sadd.s32 $0xFFFFFFFF, s21;
	p1 =	por $0x1, $0x1;
	_ =	swait.ge [sflag:s15], $0x4000  }
0x2d: {  	s20 =	smov.u32 s7;
	s19 =	sadd.s32 $0x200, s8;
	[sflag:s15] =	ssyncset.done $0x0  }
.LBB2_4:
0x2e: {  	s22 =	sadd.s32 $0xFFFFFFF0, s19;
	[sflag:s15] =	ssyncadd.s32 $0xFFFFC000;
	s20 =	sadd.s32 $0x10000, s20  }
0x2f: {  	[tilespmem:s4], [sflag:$0x2] =	stream.linear.gather [hbm4b:s22+s4], $0x80, $0x38;
	[tilespmem:$0x1B980] =	vst v63  }
0x30: {  	p2 =	sne.s32 s21, $0x1;
	s21 =	sadd.s32 $0xFFFFFFFF, s21;
	_ =	swait.ge [sflag:s11], $0x80  }
0x31: {  	[sflag:s11] =	ssyncset.done $0x0  }
0x32: {  	[sflag:s11] =	ssyncadd.s32 $0xFFFFFF80  }
0x33: {  	[tilespmem:s12], [sflag:$0x2] =	stream.linear.gather [hbm4b:s19+s4], $0x80, $0x38;
	[tilespmem:$0x1B980] =	vst v63  }
0x34: {  	_ =	swait.ge [sflag:s11], $0x80  }
0x35: {  	[sflag:s11] =	ssyncset.done $0x0  }
0x36: {  	[sflag:s11] =	ssyncadd.s32 $0xFFFFFF80  }
0x37: {  	[tilespmem:s13], [sflag:$0x2] =	stream.linear.gather [hbm4b:s20+s4], $0x8000, $0x38;
	[tilespmem:$0x1B980] =	vst v63  }
0x38: {  	_ =	swait.ge [sflag:s11], $0x8000  }
0x39: {  	[sflag:s11] =	ssyncset.done $0x0  }
0x3a: {  	[sflag:s11] =	ssyncadd.s32 $0xFFFF8000  }
0x3b: {  	[spmem:s3] =	stream.indirect.scatter.add.f32 [tilespmem:s13], [sflag:$0x1], $0x80, s4, s12, $0xb8;
	[tilespmem:$0x1B980] =	vst v63  }
0x3c: {  	_ = 	snop  }
0x3d: {  	[spmem:s3] =	stream.indirect.scatter.add.f32 [tilespmem:s14], [sflag:$0x1], $0x80, s12, s12, $0xb8;
	[tilespmem:$0x1B980] =	vst v63  }
.Ltmp2:
0x3e: {  	_ =	swait.ge [sflag:s15], $0x4000;
	(pc) =	sbr.rel @p2 .LBB2_4-.Ltmp2, $4  }
0x3f: {  	[sflag:s15] =	ssyncset.done $0x0  }
0x40: {  	[sflag:s15] =	ssyncadd.s32 $0xFFFFC000  }
0x41: {  	_ =	swait.ge [sflag:s15], $0x4000  }
0x42: {  	s19 =	sadd.s32 $0x200, s19;
	[sflag:s15] =	ssyncset.done $0x0  }
.LBB2_5:
0x43: {  	s21 =	sadd.s32 $0xFFFFFFF0, s19;
	[sflag:s15] =	ssyncadd.s32 @p1 $0xFFFFC000  }
0x44: {  	[tilespmem:s4], [sflag:$0x2] =	stream.linear.gather [hbm4b:s21+s4], $0x80, $0x38;
	[tilespmem:$0x1B980] =	vst v63  }
0x45: {  	_ =	swait.ge [sflag:s11], $0x80  }
0x46: {  	[sflag:s11] =	ssyncset.done $0x0  }
0x47: {  	[sflag:s11] =	ssyncadd.s32 $0xFFFFFF80  }
0x48: {  	[tilespmem:s12], [sflag:$0x2] =	stream.linear.gather [hbm4b:s19+s4], $0x80, $0x38;
	[tilespmem:$0x1B980] =	vst v63  }
0x49: {  	_ =	swait.ge [sflag:s11], $0x80  }
0x4a: {  	s19 =	sadd.s32 @p1 $0x10000, s20;
	s20 =	smov.u32 s7;
	[sflag:s11] =	ssyncset.done $0x0  }
0x4b: {  	s20 =	smov.u32 @p1 s19;
	[sflag:s11] =	ssyncadd.s32 $0xFFFFFF80  }
0x4c: {  	[tilespmem:s13], [sflag:$0x2] =	stream.linear.gather [hbm4b:s20+s4], $0x8000, $0x38;
	[tilespmem:$0x1B980] =	vst v63  }
0x4d: {  	_ =	swait.ge [sflag:s11], $0x8000  }
0x4e: {  	[sflag:s11] =	ssyncset.done $0x0  }
0x4f: {  	[sflag:s11] =	ssyncadd.s32 $0xFFFF8000  }
0x50: {  	[spmem:s3] =	stream.indirect.scatter.add.f32 [tilespmem:s13], [sflag:$0x1], $0x80, s4, s12, $0xb8;
	[tilespmem:$0x1B980] =	vst v63  }
0x51: {  	_ = 	snop  }
0x52: {  	[spmem:s3] =	stream.indirect.scatter.add.f32 [tilespmem:s14], [sflag:$0x1], $0x80, s12, s12, $0xb8;
	[tilespmem:$0x1B980] =	vst v63  }
0x53: {  	_ =	swait.ge [sflag:s15], $0x4000  }
0x54: {  	[sflag:s15] =	ssyncset.done $0x0  }
0x55: {  	[sflag:s15] =	ssyncadd.s32 $0xFFFFC000  }
0x56: {  	_ =	swait.ge [sflag:s15], $0x4000  }
0x57: {  	[sflag:s15] =	ssyncset.done $0x0  }
0x58: {  	s17 =	sadd.s32 $0x1, s17;
	[sflag:s15] =	ssyncadd.s32 $0xFFFFC000  }
0x59: {  	p1 =	sne.s32 s17, s6;
	[bflag:$0x0] =	sbarrier.arrive $0xFFFF  }
0x5a: {  	[hbm:s16], [sflag:s9] =	dma.local @!p0 [spmem:s10], $0x3E80  }
.Ltmp3:
0x5b: {  	_ = 	snop;
	(pc) =	sbr.rel @p1 .LBB2_1-.Ltmp3, $4  }
.Ltmp4:
0x5c: {  	_ = 	snop;
	(pc) =	sbr.rel @!p1 .LBB2_6-.Ltmp4, $4  }
0x5d: {  	_ =	swait.ge @!p0 [sflag:s18], $0x3E80  }
0x5e: {  	[sflag:s18] =	ssyncset.done @!p0 $0x0  }
0x5f: {  	[sflag:s18] =	ssyncadd.s32 @!p0 $0xFFFFC180  }
0x60: {  	_ = 	snop  }
.LBB2_3:
.Ltmp5:
0x61: {  	(pc) =	sbr.rel .LBB2_5-.Ltmp5, $2  }
0x62: {  	_ =	sdelay $0x2  }
0x63: {  	s20 =	smov.u32 s7  }
.LBB2_6:
0x64: {  	_ =	sfence.sel $0x180000  }
0x65: {  	[bflag:$0x0] =	sbarrier.arrive $0xFFFF  }
0x66: {  	p0 =	sne.s32 s2, $0x0;
	_ =	strace $0x9000004D  }
0x67: {  	s0 =	sadd.s32 @!p0 $0x100000, s0;
	[bflag:$0x2] =	sbarrier.arrive $0xFFFF  }
0x68: {  	[sflag:s0] =	ssyncadd.tile.s32 @!p0 $0x1;
	_ =	shalt  }
.Lfunc_end2:
_tile_overlayer_lowered:
.L_overlay_start_2:
0x69: {  	(tag) =	ssettag $0x2  }
0x6a: {  	s0 =	rddreg [dreg:$0x0];
	s2 =	stileid.u32  }
0x6b: {  	s1 =	rddreg [dreg:$0x1];
	p0 =	sne.s32 s2, $0x0  }
0x6c: {  	s3 =	rddreg [dreg:$0x2];
	[bflag:$0x3] =	sbarrier.arrive $0xFFFF;
	s2 =	simm.s32 @!p0 $0x1C02  }
0x6d: {  	[timem:s3], [sflag:s2] =	dma.local @!p0 [hbm:s0], s1  }
0x6e: {  	s0 =	simm.s32 @!p0 $0x2  }
0x6f: {  	_ =	swait.ge @!p0 [sflag:s0], s1  }
0x70: {  	s1 =	ssub.s32 @!p0 $0x0, s1;
	[sflag:s0] =	ssyncset.done @!p0 $0x0  }
0x71: {  	[sflag:s0] =	ssyncadd.s32 @!p0 s1  }
0x72: {  	[bflag:$0x3] =	sbarrier.arrive $0xFFFF  }
0x73: {  	_ =	shalt  }

</sc_bundles>
